<compile_context>
chip_gen: v7x
topology: tpu7x:2x2x1
jax: 0.10.2.dev20260603
libtpu: 0.0.44.dev20260713+nightly
codegen_flags: <defaults>
</compile_context>

<pallas_src>
import functools

import jax
import jax.numpy as jnp
import numpy as np
from jax import lax
from jax.experimental import pallas as pl
from jax.experimental.pallas import tpu as pltpu
from jax.experimental.pallas import tpu_sc as plsc

_CPAD = 128


def _diag_index_np(h, w):
    idx = []
    for s in range(h + w - 1):
        for i in range(h):
            j = s - i
            if 0 <= j < w:
                idx.append(i * w + j)
    return np.asarray(idx, dtype=np.int32)


def _transpose_body(x_ref, eye_ref, o_ref):
    c, h_blk, w = x_ref.shape[1:]
    xt = lax.dot_general(
        x_ref[0].reshape(c, h_blk * w), eye_ref[...],
        dimension_numbers=(((0,), (0,)), ((), ())),
        preferred_element_type=jnp.float32,
    )
    o_ref[...] = xt


def _untranspose_body(g_ref, eye_ref, o_ref):
    o_ref[0] = lax.dot_general(
        eye_ref[...], g_ref[...],
        dimension_numbers=(((1,), (1,)), ((), ())),
        preferred_element_type=jnp.float32,
    )


def _untranspose_alias_body(g_ref, eye_ref, acc_ref, o_ref):
    del acc_ref
    o_ref[0] = lax.dot_general(
        eye_ref[...], g_ref[...],
        dimension_numbers=(((1,), (1,)), ((), ())),
        preferred_element_type=jnp.float32,
    )


_NBUF = 4


@functools.lru_cache(maxsize=None)
def _make_sc_gather(n_rows, n_per_w, chunk):
    mesh = plsc.VectorSubcoreMesh(core_axis_name="c", subcore_axis_name="s")
    num_cores = mesh.num_cores
    n_chunks = n_per_w // chunk

    @functools.partial(
        pl.kernel,
        out_type=jax.ShapeDtypeStruct((n_rows, _CPAD), jnp.float32),
        mesh=mesh,
        scratch_types=[
            pltpu.VMEM((n_per_w,), jnp.int32),
            [pltpu.VMEM((chunk, _CPAD), jnp.float32) for _ in range(_NBUF)],
            [pltpu.SemaphoreType.DMA for _ in range(_NBUF)],
            [pltpu.SemaphoreType.DMA for _ in range(_NBUF)],
        ],
    )
    def gather_kernel(table_hbm, idx_hbm, out_hbm, idx_v, rows, gsems, ssems):
        wid = lax.axis_index("s") * num_cores + lax.axis_index("c")
        base = wid * n_per_w
        pltpu.sync_copy(idx_hbm.at[pl.ds(base, n_per_w)], idx_v)

        @pl.loop(0, n_chunks, step=_NBUF)
        def _chunks(ci):
            gets = []
            for k in range(_NBUF):
                idx_slice = idx_v.at[pl.ds((ci + k) * chunk, chunk)]
                gets.append(
                    pltpu.async_copy(table_hbm.at[idx_slice], rows[k], gsems[k]))
            puts = []
            for k in range(_NBUF):
                gets[k].wait()
                dst = out_hbm.at[pl.ds(base + (ci + k) * chunk, chunk)]
                puts.append(pltpu.async_copy(rows[k], dst, ssems[k]))
            for k in range(_NBUF):
                puts[k].wait()

    return gather_kernel


def kernel(x):
    b, c, h, w = x.shape
    hw = h * w
    idx_np = _diag_index_np(h, w)
    index = jnp.asarray(idx_np)
    gidx = jnp.asarray(idx_np)

    eye = jnp.asarray(np.eye(c, _CPAD, dtype=np.float32))
    info = plsc.get_sparse_core_info()
    n_workers = info.num_cores * info.num_subcores
    gather = _make_sc_gather(hw, hw // n_workers, 128)

    t_blk = 8192
    c_blk = 8192
    out = None
    for bi in range(b):
        h_blk = t_blk // w
        table = pl.pallas_call(
            _transpose_body,
            grid=(h // h_blk,),
            in_specs=[
                pl.BlockSpec((1, c, h_blk, w), lambda k, _bi=bi: (_bi, 0, k, 0)),
                pl.BlockSpec((c, _CPAD), lambda k: (0, 0)),
            ],
            out_specs=pl.BlockSpec((t_blk, _CPAD), lambda k: (k, 0)),
            out_shape=jax.ShapeDtypeStruct((hw, _CPAD), x.dtype),
        )(x, eye)
        g = gather(table, gidx)
        if out is None:
            out = pl.pallas_call(
                _untranspose_body,
                grid=(hw // c_blk,),
                in_specs=[
                    pl.BlockSpec((c_blk, _CPAD), lambda k: (k, 0)),
                    pl.BlockSpec((c, _CPAD), lambda k: (0, 0)),
                ],
                out_specs=pl.BlockSpec((1, c, c_blk), lambda k, _bi=bi: (_bi, 0, k)),
                out_shape=jax.ShapeDtypeStruct((b, c, hw), x.dtype),
            )(g, eye)
        else:
            out = pl.pallas_call(
                _untranspose_alias_body,
                grid=(hw // c_blk,),
                in_specs=[
                    pl.BlockSpec((c_blk, _CPAD), lambda k: (k, 0)),
                    pl.BlockSpec((c, _CPAD), lambda k: (0, 0)),
                    pl.BlockSpec(memory_space=pl.ANY),
                ],
                out_specs=pl.BlockSpec((1, c, c_blk), lambda k, _bi=bi: (_bi, 0, k)),
                out_shape=jax.ShapeDtypeStruct((b, c, hw), x.dtype),
                input_output_aliases={2: 0},
            )(g, eye, out)

    return jnp.transpose(out, (0, 2, 1)), index

# --- scband reference (transcript-rebuilt; emitter-appended) ---
"""Pipeline reference for scband-semantic-aligned-scan-19877108646702 (READ-ONLY COPY).

The authoritative reference and input builder live on the scoring server;
editing this copy changes nothing except your own understanding.
"""

import jax, jax.numpy as jnp
import numpy as np


def _diag_index(h, w):
    idx = []
    for s in range(h + w - 1):
        for i in range(h):
            j = s - i
            if 0 <= j < w:
                idx.append(i * w + j)
    return np.asarray(idx, dtype=np.int64)


def setup_inputs(seed: int = 0) -> dict:
    key = jax.random.key(seed)
    x = jax.random.normal(key, (4, 96, 256, 256), dtype=jnp.float32)
    return {"x": x}


def reference(x):
    # band_type == 'HH': anti-diagonal semantic-aligned scan
    b, c, h, w = x.shape
    index = jnp.asarray(_diag_index(h, w))
    x_flat = jnp.transpose(x, (0, 2, 3, 1)).reshape(b, h * w, c)
    tokens = jnp.take(x_flat, index, axis=1)
    # meta = (h, w, index); return tokens and the index tensor
    return tokens, index

if __name__ == "__main__":
    import jax
    _d = setup_inputs()
    print(jax.jit(kernel)(*tuple(_d.values())))

</pallas_src>

<mosaic_0001>
#map = affine_map<(d0, d1) -> (0, 0)>
#map1 = affine_map<(d0, d1) -> (0)>
module attributes {stable_mosaic.version = 14 : i64} {
  func.func @gather_kernel(%arg0: i32, %arg1: i32, %arg2: memref<65536x128xf32, #tpu.memory_space<hbm>>, %arg3: memref<65536xi32, #tpu.memory_space<hbm>>, %arg4: memref<65536x128xf32, #tpu.memory_space<hbm>>, %arg5: memref<2048xi32, #tpu.memory_space<vmem>>, %arg6: memref<128x128xf32, #tpu.memory_space<vmem>>, %arg7: memref<128x128xf32, #tpu.memory_space<vmem>>, %arg8: memref<128x128xf32, #tpu.memory_space<vmem>>, %arg9: memref<128x128xf32, #tpu.memory_space<vmem>>, %arg10: memref<!tpu.dma_semaphore, #tpu.memory_space<semaphore_mem>>, %arg11: memref<!tpu.dma_semaphore, #tpu.memory_space<semaphore_mem>>, %arg12: memref<!tpu.dma_semaphore, #tpu.memory_space<semaphore_mem>>, %arg13: memref<!tpu.dma_semaphore, #tpu.memory_space<semaphore_mem>>, %arg14: memref<!tpu.dma_semaphore, #tpu.memory_space<semaphore_mem>>, %arg15: memref<!tpu.dma_semaphore, #tpu.memory_space<semaphore_mem>>, %arg16: memref<!tpu.dma_semaphore, #tpu.memory_space<semaphore_mem>>, %arg17: memref<!tpu.dma_semaphore, #tpu.memory_space<semaphore_mem>>) attributes {dimension_semantics = [#tpu.dimension_semantics<core_parallel>, #tpu.dimension_semantics<subcore_parallel>], iteration_bounds = array<i64: 2, 16>, scalar_prefetch = 0 : i64, scratch_operands = 13 : i64, tpu.core_type = #tpu.core_type<sc_vector_subcore>, window_params = [{transform_indices = #map}, {transform_indices = #map1}, {transform_indices = #map}]} {
    %mul3A = arith.constant 2 : i32
    %mul3A_0 = arith.muli %arg1, %mul3A : i32
    %add3A = arith.addi %mul3A_0, %arg0 : i32
    %mul3A_1 = arith.constant 2048 : i32
    %mul3A_2 = arith.muli %add3A, %mul3A_1 : i32
    "tpu.region"() ({
      %run_scoped3A = tpu.sem_alloc : memref<!tpu.dma_semaphore, #tpu.memory_space<semaphore_mem>>
      %dma_start3A = tpu.memref_slice %arg3[%mul3A_2] : memref<65536xi32, #tpu.memory_space<hbm>> -> memref<2048xi32, #tpu.memory_space<hbm>>
      %dma_start3A_7 = tpu.memref_slice %arg3[%mul3A_2] : memref<65536xi32, #tpu.memory_space<hbm>> -> memref<2048xi32, #tpu.memory_space<hbm>>
      tpu.enqueue_dma source(%dma_start3A_7 : memref<2048xi32, #tpu.memory_space<hbm>>) target(%arg5 : memref<2048xi32, #tpu.memory_space<vmem>>) target_semaphore(%run_scoped3A : memref<!tpu.dma_semaphore, #tpu.memory_space<semaphore_mem>>)
      %dma_wait3A = tpu.memref_slice %arg3[%mul3A_2] : memref<65536xi32, #tpu.memory_space<hbm>> -> memref<2048xi32, #tpu.memory_space<hbm>>
      %dma_wait3A_8 = tpu.memref_slice %arg3[%mul3A_2] : memref<65536xi32, #tpu.memory_space<hbm>> -> memref<2048xi32, #tpu.memory_space<hbm>>
      tpu.wait_dma2 semaphore(%run_scoped3A : memref<!tpu.dma_semaphore, #tpu.memory_space<semaphore_mem>>) src(%dma_wait3A_8 : memref<2048xi32, #tpu.memory_space<hbm>>) dst(%arg5 : memref<2048xi32, #tpu.memory_space<vmem>>)
      tpu.yield
    }) : () -> ()
    %scan3A = arith.constant 0 : i32
    %scan3A_3 = arith.constant 4 : i32
    %scan3A_4 = arith.addi %scan3A, %scan3A_3 : i32
    %scan3A_5 = arith.constant 1 : i32
    scf.for %scan3A_7 = %scan3A to %scan3A_4 step %scan3A_5  : i32 {
      %mul3A_8 = arith.constant 4 : i32
      %mul3A_9 = arith.muli %scan3A_7, %mul3A_8 : i32
      %add3A_10 = arith.constant 0 : i32
      %add3A_11 = arith.addi %add3A_10, %mul3A_9 : i32
      %add3A_12 = arith.constant 0 : i32
      %add3A_13 = arith.addi %add3A_11, %add3A_12 : i32
      %mul3A_14 = arith.constant 128 : i32
      %mul3A_15 = arith.muli %add3A_13, %mul3A_14 : i32
      %dma_start3A = tpu.memref_slice %arg5[%mul3A_15] : memref<2048xi32, #tpu.memory_space<vmem>> -> memref<128xi32, #tpu.memory_space<vmem>>
      %dma_start3A_16 = arith.constant 0 : i32
      %dma_start3A_17 = arith.constant 0 : i32
      %dma_start3A_18 = tpu.memref_slice %arg2[%dma_start3A_16, %dma_start3A_17] : memref<65536x128xf32, #tpu.memory_space<hbm>> -> memref<65536x128xf32, #tpu.memory_space<hbm>>
      tpu.enqueue_indirect_dma source(%dma_start3A_18 : memref<65536x128xf32, #tpu.memory_space<hbm>>) target(%arg6 : memref<128x128xf32, #tpu.memory_space<vmem>>) offsets(%dma_start3A : memref<128xi32, #tpu.memory_space<vmem>>) semaphore(%arg10 : memref<!tpu.dma_semaphore, #tpu.memory_space<semaphore_mem>>)
      %add3A_19 = arith.constant 1 : i32
      %add3A_20 = arith.addi %add3A_11, %add3A_19 : i32
      %mul3A_21 = arith.constant 128 : i32
      %mul3A_22 = arith.muli %add3A_20, %mul3A_21 : i32
      %dma_start3A_23 = tpu.memref_slice %arg5[%mul3A_22] : memref<2048xi32, #tpu.memory_space<vmem>> -> memref<128xi32, #tpu.memory_space<vmem>>
      %dma_start3A_24 = arith.constant 0 : i32
      %dma_start3A_25 = arith.constant 0 : i32
      %dma_start3A_26 = tpu.memref_slice %arg2[%dma_start3A_24, %dma_start3A_25] : memref<65536x128xf32, #tpu.memory_space<hbm>> -> memref<65536x128xf32, #tpu.memory_space<hbm>>
      tpu.enqueue_indirect_dma source(%dma_start3A_26 : memref<65536x128xf32, #tpu.memory_space<hbm>>) target(%arg7 : memref<128x128xf32, #tpu.memory_space<vmem>>) offsets(%dma_start3A_23 : memref<128xi32, #tpu.memory_space<vmem>>) semaphore(%arg11 : memref<!tpu.dma_semaphore, #tpu.memory_space<semaphore_mem>>)
      %add3A_27 = arith.constant 2 : i32
      %add3A_28 = arith.addi %add3A_11, %add3A_27 : i32
      %mul3A_29 = arith.constant 128 : i32
      %mul3A_30 = arith.muli %add3A_28, %mul3A_29 : i32
      %dma_start3A_31 = tpu.memref_slice %arg5[%mul3A_30] : memref<2048xi32, #tpu.memory_space<vmem>> -> memref<128xi32, #tpu.memory_space<vmem>>
      %dma_start3A_32 = arith.constant 0 : i32
      %dma_start3A_33 = arith.constant 0 : i32
      %dma_start3A_34 = tpu.memref_slice %arg2[%dma_start3A_32, %dma_start3A_33] : memref<65536x128xf32, #tpu.memory_space<hbm>> -> memref<65536x128xf32, #tpu.memory_space<hbm>>
      tpu.enqueue_indirect_dma source(%dma_start3A_34 : memref<65536x128xf32, #tpu.memory_space<hbm>>) target(%arg8 : memref<128x128xf32, #tpu.memory_space<vmem>>) offsets(%dma_start3A_31 : memref<128xi32, #tpu.memory_space<vmem>>) semaphore(%arg12 : memref<!tpu.dma_semaphore, #tpu.memory_space<semaphore_mem>>)
      %add3A_35 = arith.constant 3 : i32
      %add3A_36 = arith.addi %add3A_11, %add3A_35 : i32
      %mul3A_37 = arith.constant 128 : i32
      %mul3A_38 = arith.muli %add3A_36, %mul3A_37 : i32
      %dma_start3A_39 = tpu.memref_slice %arg5[%mul3A_38] : memref<2048xi32, #tpu.memory_space<vmem>> -> memref<128xi32, #tpu.memory_space<vmem>>
      %dma_start3A_40 = arith.constant 0 : i32
      %dma_start3A_41 = arith.constant 0 : i32
      %dma_start3A_42 = tpu.memref_slice %arg2[%dma_start3A_40, %dma_start3A_41] : memref<65536x128xf32, #tpu.memory_space<hbm>> -> memref<65536x128xf32, #tpu.memory_space<hbm>>
      tpu.enqueue_indirect_dma source(%dma_start3A_42 : memref<65536x128xf32, #tpu.memory_space<hbm>>) target(%arg9 : memref<128x128xf32, #tpu.memory_space<vmem>>) offsets(%dma_start3A_39 : memref<128xi32, #tpu.memory_space<vmem>>) semaphore(%arg13 : memref<!tpu.dma_semaphore, #tpu.memory_space<semaphore_mem>>)
      %dma_wait3A = tpu.memref_slice %arg5[%mul3A_15] : memref<2048xi32, #tpu.memory_space<vmem>> -> memref<128xi32, #tpu.memory_space<vmem>>
      %dma_wait3A_43 = arith.constant 0 : i32
      %dma_wait3A_44 = arith.constant 0 : i32
      %dma_wait3A_45 = tpu.memref_slice %arg2[%dma_wait3A_43, %dma_wait3A_44] : memref<65536x128xf32, #tpu.memory_space<hbm>> -> memref<65536x128xf32, #tpu.memory_space<hbm>>
      tpu.wait_indirect_dma semaphore(%arg10 : memref<!tpu.dma_semaphore, #tpu.memory_space<semaphore_mem>>) src(%dma_wait3A_45 : memref<65536x128xf32, #tpu.memory_space<hbm>>) dst(%arg6 : memref<128x128xf32, #tpu.memory_space<vmem>>)
      %add3A_46 = arith.constant 0 : i32
      %add3A_47 = arith.addi %add3A_11, %add3A_46 : i32
      %mul3A_48 = arith.constant 128 : i32
      %mul3A_49 = arith.muli %add3A_47, %mul3A_48 : i32
      %add3A_50 = arith.addi %mul3A_2, %mul3A_49 : i32
      %dma_start3A_51 = arith.constant 0 : i32
      %dma_start3A_52 = tpu.memref_slice %arg4[%add3A_50, %dma_start3A_51] : memref<65536x128xf32, #tpu.memory_space<hbm>> -> memref<128x128xf32, #tpu.memory_space<hbm>>
      %dma_start3A_53 = arith.constant 0 : i32
      %dma_start3A_54 = tpu.memref_slice %arg4[%add3A_50, %dma_start3A_53] : memref<65536x128xf32, #tpu.memory_space<hbm>> -> memref<128x128xf32, #tpu.memory_space<hbm>>
      tpu.enqueue_dma source(%arg6 : memref<128x128xf32, #tpu.memory_space<vmem>>) target(%dma_start3A_54 : memref<128x128xf32, #tpu.memory_space<hbm>>) target_semaphore(%arg14 : memref<!tpu.dma_semaphore, #tpu.memory_space<semaphore_mem>>)
      %dma_wait3A_55 = tpu.memref_slice %arg5[%mul3A_22] : memref<2048xi32, #tpu.memory_space<vmem>> -> memref<128xi32, #tpu.memory_space<vmem>>
      %dma_wait3A_56 = arith.constant 0 : i32
      %dma_wait3A_57 = arith.constant 0 : i32
      %dma_wait3A_58 = tpu.memref_slice %arg2[%dma_wait3A_56, %dma_wait3A_57] : memref<65536x128xf32, #tpu.memory_space<hbm>> -> memref<65536x128xf32, #tpu.memory_space<hbm>>
      tpu.wait_indirect_dma semaphore(%arg11 : memref<!tpu.dma_semaphore, #tpu.memory_space<semaphore_mem>>) src(%dma_wait3A_58 : memref<65536x128xf32, #tpu.memory_space<hbm>>) dst(%arg7 : memref<128x128xf32, #tpu.memory_space<vmem>>)
      %add3A_59 = arith.constant 1 : i32
      %add3A_60 = arith.addi %add3A_11, %add3A_59 : i32
      %mul3A_61 = arith.constant 128 : i32
      %mul3A_62 = arith.muli %add3A_60, %mul3A_61 : i32
      %add3A_63 = arith.addi %mul3A_2, %mul3A_62 : i32
      %dma_start3A_64 = arith.constant 0 : i32
      %dma_start3A_65 = tpu.memref_slice %arg4[%add3A_63, %dma_start3A_64] : memref<65536x128xf32, #tpu.memory_space<hbm>> -> memref<128x128xf32, #tpu.memory_space<hbm>>
      %dma_start3A_66 = arith.constant 0 : i32
      %dma_start3A_67 = tpu.memref_slice %arg4[%add3A_63, %dma_start3A_66] : memref<65536x128xf32, #tpu.memory_space<hbm>> -> memref<128x128xf32, #tpu.memory_space<hbm>>
      tpu.enqueue_dma source(%arg7 : memref<128x128xf32, #tpu.memory_space<vmem>>) target(%dma_start3A_67 : memref<128x128xf32, #tpu.memory_space<hbm>>) target_semaphore(%arg15 : memref<!tpu.dma_semaphore, #tpu.memory_space<semaphore_mem>>)
      %dma_wait3A_68 = tpu.memref_slice %arg5[%mul3A_30] : memref<2048xi32, #tpu.memory_space<vmem>> -> memref<128xi32, #tpu.memory_space<vmem>>
      %dma_wait3A_69 = arith.constant 0 : i32
      %dma_wait3A_70 = arith.constant 0 : i32
      %dma_wait3A_71 = tpu.memref_slice %arg2[%dma_wait3A_69, %dma_wait3A_70] : memref<65536x128xf32, #tpu.memory_space<hbm>> -> memref<65536x128xf32, #tpu.memory_space<hbm>>
      tpu.wait_indirect_dma semaphore(%arg12 : memref<!tpu.dma_semaphore, #tpu.memory_space<semaphore_mem>>) src(%dma_wait3A_71 : memref<65536x128xf32, #tpu.memory_space<hbm>>) dst(%arg8 : memref<128x128xf32, #tpu.memory_space<vmem>>)
      %add3A_72 = arith.constant 2 : i32
      %add3A_73 = arith.addi %add3A_11, %add3A_72 : i32
      %mul3A_74 = arith.constant 128 : i32
      %mul3A_75 = arith.muli %add3A_73, %mul3A_74 : i32
      %add3A_76 = arith.addi %mul3A_2, %mul3A_75 : i32
      %dma_start3A_77 = arith.constant 0 : i32
      %dma_start3A_78 = tpu.memref_slice %arg4[%add3A_76, %dma_start3A_77] : memref<65536x128xf32, #tpu.memory_space<hbm>> -> memref<128x128xf32, #tpu.memory_space<hbm>>
      %dma_start3A_79 = arith.constant 0 : i32
      %dma_start3A_80 = tpu.memref_slice %arg4[%add3A_76, %dma_start3A_79] : memref<65536x128xf32, #tpu.memory_space<hbm>> -> memref<128x128xf32, #tpu.memory_space<hbm>>
      tpu.enqueue_dma source(%arg8 : memref<128x128xf32, #tpu.memory_space<vmem>>) target(%dma_start3A_80 : memref<128x128xf32, #tpu.memory_space<hbm>>) target_semaphore(%arg16 : memref<!tpu.dma_semaphore, #tpu.memory_space<semaphore_mem>>)
      %dma_wait3A_81 = tpu.memref_slice %arg5[%mul3A_38] : memref<2048xi32, #tpu.memory_space<vmem>> -> memref<128xi32, #tpu.memory_space<vmem>>
      %dma_wait3A_82 = arith.constant 0 : i32
      %dma_wait3A_83 = arith.constant 0 : i32
      %dma_wait3A_84 = tpu.memref_slice %arg2[%dma_wait3A_82, %dma_wait3A_83] : memref<65536x128xf32, #tpu.memory_space<hbm>> -> memref<65536x128xf32, #tpu.memory_space<hbm>>
      tpu.wait_indirect_dma semaphore(%arg13 : memref<!tpu.dma_semaphore, #tpu.memory_space<semaphore_mem>>) src(%dma_wait3A_84 : memref<65536x128xf32, #tpu.memory_space<hbm>>) dst(%arg9 : memref<128x128xf32, #tpu.memory_space<vmem>>)
      %add3A_85 = arith.constant 3 : i32
      %add3A_86 = arith.addi %add3A_11, %add3A_85 : i32
      %mul3A_87 = arith.constant 128 : i32
      %mul3A_88 = arith.muli %add3A_86, %mul3A_87 : i32
      %add3A_89 = arith.addi %mul3A_2, %mul3A_88 : i32
      %dma_start3A_90 = arith.constant 0 : i32
      %dma_start3A_91 = tpu.memref_slice %arg4[%add3A_89, %dma_start3A_90] : memref<65536x128xf32, #tpu.memory_space<hbm>> -> memref<128x128xf32, #tpu.memory_space<hbm>>
      %dma_start3A_92 = arith.constant 0 : i32
      %dma_start3A_93 = tpu.memref_slice %arg4[%add3A_89, %dma_start3A_92] : memref<65536x128xf32, #tpu.memory_space<hbm>> -> memref<128x128xf32, #tpu.memory_space<hbm>>
      tpu.enqueue_dma source(%arg9 : memref<128x128xf32, #tpu.memory_space<vmem>>) target(%dma_start3A_93 : memref<128x128xf32, #tpu.memory_space<hbm>>) target_semaphore(%arg17 : memref<!tpu.dma_semaphore, #tpu.memory_space<semaphore_mem>>)
      %dma_wait3A_94 = arith.constant 0 : i32
      %dma_wait3A_95 = tpu.memref_slice %arg4[%add3A_50, %dma_wait3A_94] : memref<65536x128xf32, #tpu.memory_space<hbm>> -> memref<128x128xf32, #tpu.memory_space<hbm>>
      %dma_wait3A_96 = arith.constant 0 : i32
      %dma_wait3A_97 = tpu.memref_slice %arg4[%add3A_50, %dma_wait3A_96] : memref<65536x128xf32, #tpu.memory_space<hbm>> -> memref<128x128xf32, #tpu.memory_space<hbm>>
      tpu.wait_dma2 semaphore(%arg14 : memref<!tpu.dma_semaphore, #tpu.memory_space<semaphore_mem>>) src(%arg6 : memref<128x128xf32, #tpu.memory_space<vmem>>) dst(%dma_wait3A_97 : memref<128x128xf32, #tpu.memory_space<hbm>>)
      %dma_wait3A_98 = arith.constant 0 : i32
      %dma_wait3A_99 = tpu.memref_slice %arg4[%add3A_63, %dma_wait3A_98] : memref<65536x128xf32, #tpu.memory_space<hbm>> -> memref<128x128xf32, #tpu.memory_space<hbm>>
      %dma_wait3A_100 = arith.constant 0 : i32
      %dma_wait3A_101 = tpu.memref_slice %arg4[%add3A_63, %dma_wait3A_100] : memref<65536x128xf32, #tpu.memory_space<hbm>> -> memref<128x128xf32, #tpu.memory_space<hbm>>
      tpu.wait_dma2 semaphore(%arg15 : memref<!tpu.dma_semaphore, #tpu.memory_space<semaphore_mem>>) src(%arg7 : memref<128x128xf32, #tpu.memory_space<vmem>>) dst(%dma_wait3A_101 : memref<128x128xf32, #tpu.memory_space<hbm>>)
      %dma_wait3A_102 = arith.constant 0 : i32
      %dma_wait3A_103 = tpu.memref_slice %arg4[%add3A_76, %dma_wait3A_102] : memref<65536x128xf32, #tpu.memory_space<hbm>> -> memref<128x128xf32, #tpu.memory_space<hbm>>
      %dma_wait3A_104 = arith.constant 0 : i32
      %dma_wait3A_105 = tpu.memref_slice %arg4[%add3A_76, %dma_wait3A_104] : memref<65536x128xf32, #tpu.memory_space<hbm>> -> memref<128x128xf32, #tpu.memory_space<hbm>>
      tpu.wait_dma2 semaphore(%arg16 : memref<!tpu.dma_semaphore, #tpu.memory_space<semaphore_mem>>) src(%arg8 : memref<128x128xf32, #tpu.memory_space<vmem>>) dst(%dma_wait3A_105 : memref<128x128xf32, #tpu.memory_space<hbm>>)
      %dma_wait3A_106 = arith.constant 0 : i32
      %dma_wait3A_107 = tpu.memref_slice %arg4[%add3A_89, %dma_wait3A_106] : memref<65536x128xf32, #tpu.memory_space<hbm>> -> memref<128x128xf32, #tpu.memory_space<hbm>>
      %dma_wait3A_108 = arith.constant 0 : i32
      %dma_wait3A_109 = tpu.memref_slice %arg4[%add3A_89, %dma_wait3A_108] : memref<65536x128xf32, #tpu.memory_space<hbm>> -> memref<128x128xf32, #tpu.memory_space<hbm>>
      tpu.wait_dma2 semaphore(%arg17 : memref<!tpu.dma_semaphore, #tpu.memory_space<semaphore_mem>>) src(%arg9 : memref<128x128xf32, #tpu.memory_space<vmem>>) dst(%dma_wait3A_109 : memref<128x128xf32, #tpu.memory_space<hbm>>)
    }
    %scan3A_6 = arith.constant 4 : i32
    return
  }
}

#map = affine_map<(d0, d1) -> (0, 0)>
#map1 = affine_map<(d0, d1) -> (0)>
module attributes {stable_mosaic.version = 14 : i64} {
  func.func @gather_kernel(%arg0: i32, %arg1: i32, %arg2: memref<65536x128xf32, #tpu.memory_space<hbm>>, %arg3: memref<65536xi32, #tpu.memory_space<hbm>>, %arg4: memref<65536x128xf32, #tpu.memory_space<hbm>>, %arg5: memref<2048xi32, #tpu.memory_space<vmem>>, %arg6: memref<128x128xf32, #tpu.memory_space<vmem>>, %arg7: memref<128x128xf32, #tpu.memory_space<vmem>>, %arg8: memref<128x128xf32, #tpu.memory_space<vmem>>, %arg9: memref<128x128xf32, #tpu.memory_space<vmem>>, %arg10: memref<!tpu.dma_semaphore, #tpu.memory_space<semaphore_mem>>, %arg11: memref<!tpu.dma_semaphore, #tpu.memory_space<semaphore_mem>>, %arg12: memref<!tpu.dma_semaphore, #tpu.memory_space<semaphore_mem>>, %arg13: memref<!tpu.dma_semaphore, #tpu.memory_space<semaphore_mem>>, %arg14: memref<!tpu.dma_semaphore, #tpu.memory_space<semaphore_mem>>, %arg15: memref<!tpu.dma_semaphore, #tpu.memory_space<semaphore_mem>>, %arg16: memref<!tpu.dma_semaphore, #tpu.memory_space<semaphore_mem>>, %arg17: memref<!tpu.dma_semaphore, #tpu.memory_space<semaphore_mem>>) attributes {dimension_semantics = [#tpu.dimension_semantics<core_parallel>, #tpu.dimension_semantics<subcore_parallel>], iteration_bounds = array<i64: 2, 16>, scalar_prefetch = 0 : i64, scratch_operands = 13 : i64, tpu.core_type = #tpu.core_type<sc_vector_subcore>, window_params = [{transform_indices = #map}, {transform_indices = #map1}, {transform_indices = #map}]} {
    %mul3A = arith.constant 2 : i32
    %mul3A_0 = arith.muli %arg1, %mul3A : i32
    %add3A = arith.addi %mul3A_0, %arg0 : i32
    %mul3A_1 = arith.constant 2048 : i32
    %mul3A_2 = arith.muli %add3A, %mul3A_1 : i32
    "tpu.region"() ({
      %run_scoped3A = tpu.sem_alloc : memref<!tpu.dma_semaphore, #tpu.memory_space<semaphore_mem>>
      %dma_start3A = tpu.memref_slice %arg3[%mul3A_2] : memref<65536xi32, #tpu.memory_space<hbm>> -> memref<2048xi32, #tpu.memory_space<hbm>>
      %dma_start3A_7 = tpu.memref_slice %arg3[%mul3A_2] : memref<65536xi32, #tpu.memory_space<hbm>> -> memref<2048xi32, #tpu.memory_space<hbm>>
      tpu.enqueue_dma source(%dma_start3A_7 : memref<2048xi32, #tpu.memory_space<hbm>>) target(%arg5 : memref<2048xi32, #tpu.memory_space<vmem>>) target_semaphore(%run_scoped3A : memref<!tpu.dma_semaphore, #tpu.memory_space<semaphore_mem>>)
      %dma_wait3A = tpu.memref_slice %arg3[%mul3A_2] : memref<65536xi32, #tpu.memory_space<hbm>> -> memref<2048xi32, #tpu.memory_space<hbm>>
      %dma_wait3A_8 = tpu.memref_slice %arg3[%mul3A_2] : memref<65536xi32, #tpu.memory_space<hbm>> -> memref<2048xi32, #tpu.memory_space<hbm>>
      tpu.wait_dma2 semaphore(%run_scoped3A : memref<!tpu.dma_semaphore, #tpu.memory_space<semaphore_mem>>) src(%dma_wait3A_8 : memref<2048xi32, #tpu.memory_space<hbm>>) dst(%arg5 : memref<2048xi32, #tpu.memory_space<vmem>>)
      tpu.yield
    }) : () -> ()
    %scan3A = arith.constant 0 : i32
    %scan3A_3 = arith.constant 4 : i32
    %scan3A_4 = arith.addi %scan3A, %scan3A_3 : i32
    %scan3A_5 = arith.constant 1 : i32
    scf.for %scan3A_7 = %scan3A to %scan3A_4 step %scan3A_5  : i32 {
      %mul3A_8 = arith.constant 4 : i32
      %mul3A_9 = arith.muli %scan3A_7, %mul3A_8 : i32
      %add3A_10 = arith.constant 0 : i32
      %add3A_11 = arith.addi %add3A_10, %mul3A_9 : i32
      %add3A_12 = arith.constant 0 : i32
      %add3A_13 = arith.addi %add3A_11, %add3A_12 : i32
      %mul3A_14 = arith.constant 128 : i32
      %mul3A_15 = arith.muli %add3A_13, %mul3A_14 : i32
      %dma_start3A = tpu.memref_slice %arg5[%mul3A_15] : memref<2048xi32, #tpu.memory_space<vmem>> -> memref<128xi32, #tpu.memory_space<vmem>>
      %dma_start3A_16 = arith.constant 0 : i32
      %dma_start3A_17 = arith.constant 0 : i32
      %dma_start3A_18 = tpu.memref_slice %arg2[%dma_start3A_16, %dma_start3A_17] : memref<65536x128xf32, #tpu.memory_space<hbm>> -> memref<65536x128xf32, #tpu.memory_space<hbm>>
      tpu.enqueue_indirect_dma source(%dma_start3A_18 : memref<65536x128xf32, #tpu.memory_space<hbm>>) target(%arg6 : memref<128x128xf32, #tpu.memory_space<vmem>>) offsets(%dma_start3A : memref<128xi32, #tpu.memory_space<vmem>>) semaphore(%arg10 : memref<!tpu.dma_semaphore, #tpu.memory_space<semaphore_mem>>)
      %add3A_19 = arith.constant 1 : i32
      %add3A_20 = arith.addi %add3A_11, %add3A_19 : i32
      %mul3A_21 = arith.constant 128 : i32
      %mul3A_22 = arith.muli %add3A_20, %mul3A_21 : i32
      %dma_start3A_23 = tpu.memref_slice %arg5[%mul3A_22] : memref<2048xi32, #tpu.memory_space<vmem>> -> memref<128xi32, #tpu.memory_space<vmem>>
      %dma_start3A_24 = arith.constant 0 : i32
      %dma_start3A_25 = arith.constant 0 : i32
      %dma_start3A_26 = tpu.memref_slice %arg2[%dma_start3A_24, %dma_start3A_25] : memref<65536x128xf32, #tpu.memory_space<hbm>> -> memref<65536x128xf32, #tpu.memory_space<hbm>>
      tpu.enqueue_indirect_dma source(%dma_start3A_26 : memref<65536x128xf32, #tpu.memory_space<hbm>>) target(%arg7 : memref<128x128xf32, #tpu.memory_space<vmem>>) offsets(%dma_start3A_23 : memref<128xi32, #tpu.memory_space<vmem>>) semaphore(%arg11 : memref<!tpu.dma_semaphore, #tpu.memory_space<semaphore_mem>>)
      %add3A_27 = arith.constant 2 : i32
      %add3A_28 = arith.addi %add3A_11, %add3A_27 : i32
      %mul3A_29 = arith.constant 128 : i32
      %mul3A_30 = arith.muli %add3A_28, %mul3A_29 : i32
      %dma_start3A_31 = tpu.memref_slice %arg5[%mul3A_30] : memref<2048xi32, #tpu.memory_space<vmem>> -> memref<128xi32, #tpu.memory_space<vmem>>
      %dma_start3A_32 = arith.constant 0 : i32
      %dma_start3A_33 = arith.constant 0 : i32
      %dma_start3A_34 = tpu.memref_slice %arg2[%dma_start3A_32, %dma_start3A_33] : memref<65536x128xf32, #tpu.memory_space<hbm>> -> memref<65536x128xf32, #tpu.memory_space<hbm>>
      tpu.enqueue_indirect_dma source(%dma_start3A_34 : memref<65536x128xf32, #tpu.memory_space<hbm>>) target(%arg8 : memref<128x128xf32, #tpu.memory_space<vmem>>) offsets(%dma_start3A_31 : memref<128xi32, #tpu.memory_space<vmem>>) semaphore(%arg12 : memref<!tpu.dma_semaphore, #tpu.memory_space<semaphore_mem>>)
      %add3A_35 = arith.constant 3 : i32
      %add3A_36 = arith.addi %add3A_11, %add3A_35 : i32
      %mul3A_37 = arith.constant 128 : i32
      %mul3A_38 = arith.muli %add3A_36, %mul3A_37 : i32
      %dma_start3A_39 = tpu.memref_slice %arg5[%mul3A_38] : memref<2048xi32, #tpu.memory_space<vmem>> -> memref<128xi32, #tpu.memory_space<vmem>>
      %dma_start3A_40 = arith.constant 0 : i32
      %dma_start3A_41 = arith.constant 0 : i32
      %dma_start3A_42 = tpu.memref_slice %arg2[%dma_start3A_40, %dma_start3A_41] : memref<65536x128xf32, #tpu.memory_space<hbm>> -> memref<65536x128xf32, #tpu.memory_space<hbm>>
      tpu.enqueue_indirect_dma source(%dma_start3A_42 : memref<65536x128xf32, #tpu.memory_space<hbm>>) target(%arg9 : memref<128x128xf32, #tpu.memory_space<vmem>>) offsets(%dma_start3A_39 : memref<128xi32, #tpu.memory_space<vmem>>) semaphore(%arg13 : memref<!tpu.dma_semaphore, #tpu.memory_space<semaphore_mem>>)
      %dma_wait3A = tpu.memref_slice %arg5[%mul3A_15] : memref<2048xi32, #tpu.memory_space<vmem>> -> memref<128xi32, #tpu.memory_space<vmem>>
      %dma_wait3A_43 = arith.constant 0 : i32
      %dma_wait3A_44 = arith.constant 0 : i32
      %dma_wait3A_45 = tpu.memref_slice %arg2[%dma_wait3A_43, %dma_wait3A_44] : memref<65536x128xf32, #tpu.memory_space<hbm>> -> memref<65536x128xf32, #tpu.memory_space<hbm>>
      tpu.wait_indirect_dma semaphore(%arg10 : memref<!tpu.dma_semaphore, #tpu.memory_space<semaphore_mem>>) src(%dma_wait3A_45 : memref<65536x128xf32, #tpu.memory_space<hbm>>) dst(%arg6 : memref<128x128xf32, #tpu.memory_space<vmem>>)
      %add3A_46 = arith.constant 0 : i32
      %add3A_47 = arith.addi %add3A_11, %add3A_46 : i32
      %mul3A_48 = arith.constant 128 : i32
      %mul3A_49 = arith.muli %add3A_47, %mul3A_48 : i32
      %add3A_50 = arith.addi %mul3A_2, %mul3A_49 : i32
      %dma_start3A_51 = arith.constant 0 : i32
      %dma_start3A_52 = tpu.memref_slice %arg4[%add3A_50, %dma_start3A_51] : memref<65536x128xf32, #tpu.memory_space<hbm>> -> memref<128x128xf32, #tpu.memory_space<hbm>>
      %dma_start3A_53 = arith.constant 0 : i32
      %dma_start3A_54 = tpu.memref_slice %arg4[%add3A_50, %dma_start3A_53] : memref<65536x128xf32, #tpu.memory_space<hbm>> -> memref<128x128xf32, #tpu.memory_space<hbm>>
      tpu.enqueue_dma source(%arg6 : memref<128x128xf32, #tpu.memory_space<vmem>>) target(%dma_start3A_54 : memref<128x128xf32, #tpu.memory_space<hbm>>) target_semaphore(%arg14 : memref<!tpu.dma_semaphore, #tpu.memory_space<semaphore_mem>>)
      %dma_wait3A_55 = tpu.memref_slice %arg5[%mul3A_22] : memref<2048xi32, #tpu.memory_space<vmem>> -> memref<128xi32, #tpu.memory_space<vmem>>
      %dma_wait3A_56 = arith.constant 0 : i32
      %dma_wait3A_57 = arith.constant 0 : i32
      %dma_wait3A_58 = tpu.memref_slice %arg2[%dma_wait3A_56, %dma_wait3A_57] : memref<65536x128xf32, #tpu.memory_space<hbm>> -> memref<65536x128xf32, #tpu.memory_space<hbm>>
      tpu.wait_indirect_dma semaphore(%arg11 : memref<!tpu.dma_semaphore, #tpu.memory_space<semaphore_mem>>) src(%dma_wait3A_58 : memref<65536x128xf32, #tpu.memory_space<hbm>>) dst(%arg7 : memref<128x128xf32, #tpu.memory_space<vmem>>)
      %add3A_59 = arith.constant 1 : i32
      %add3A_60 = arith.addi %add3A_11, %add3A_59 : i32
      %mul3A_61 = arith.constant 128 : i32
      %mul3A_62 = arith.muli %add3A_60, %mul3A_61 : i32
      %add3A_63 = arith.addi %mul3A_2, %mul3A_62 : i32
      %dma_start3A_64 = arith.constant 0 : i32
      %dma_start3A_65 = tpu.memref_slice %arg4[%add3A_63, %dma_start3A_64] : memref<65536x128xf32, #tpu.memory_space<hbm>> -> memref<128x128xf32, #tpu.memory_space<hbm>>
      %dma_start3A_66 = arith.constant 0 : i32
      %dma_start3A_67 = tpu.memref_slice %arg4[%add3A_63, %dma_start3A_66] : memref<65536x128xf32, #tpu.memory_space<hbm>> -> memref<128x128xf32, #tpu.memory_space<hbm>>
      tpu.enqueue_dma source(%arg7 : memref<128x128xf32, #tpu.memory_space<vmem>>) target(%dma_start3A_67 : memref<128x128xf32, #tpu.memory_space<hbm>>) target_semaphore(%arg15 : memref<!tpu.dma_semaphore, #tpu.memory_space<semaphore_mem>>)
      %dma_wait3A_68 = tpu.memref_slice %arg5[%mul3A_30] : memref<2048xi32, #tpu.memory_space<vmem>> -> memref<128xi32, #tpu.memory_space<vmem>>
      %dma_wait3A_69 = arith.constant 0 : i32
      %dma_wait3A_70 = arith.constant 0 : i32
      %dma_wait3A_71 = tpu.memref_slice %arg2[%dma_wait3A_69, %dma_wait3A_70] : memref<65536x128xf32, #tpu.memory_space<hbm>> -> memref<65536x128xf32, #tpu.memory_space<hbm>>
      tpu.wait_indirect_dma semaphore(%arg12 : memref<!tpu.dma_semaphore, #tpu.memory_space<semaphore_mem>>) src(%dma_wait3A_71 : memref<65536x128xf32, #tpu.memory_space<hbm>>) dst(%arg8 : memref<128x128xf32, #tpu.memory_space<vmem>>)
      %add3A_72 = arith.constant 2 : i32
      %add3A_73 = arith.addi %add3A_11, %add3A_72 : i32
      %mul3A_74 = arith.constant 128 : i32
      %mul3A_75 = arith.muli %add3A_73, %mul3A_74 : i32
      %add3A_76 = arith.addi %mul3A_2, %mul3A_75 : i32
      %dma_start3A_77 = arith.constant 0 : i32
      %dma_start3A_78 = tpu.memref_slice %arg4[%add3A_76, %dma_start3A_77] : memref<65536x128xf32, #tpu.memory_space<hbm>> -> memref<128x128xf32, #tpu.memory_space<hbm>>
      %dma_start3A_79 = arith.constant 0 : i32
      %dma_start3A_80 = tpu.memref_slice %arg4[%add3A_76, %dma_start3A_79] : memref<65536x128xf32, #tpu.memory_space<hbm>> -> memref<128x128xf32, #tpu.memory_space<hbm>>
      tpu.enqueue_dma source(%arg8 : memref<128x128xf32, #tpu.memory_space<vmem>>) target(%dma_start3A_80 : memref<128x128xf32, #tpu.memory_space<hbm>>) target_semaphore(%arg16 : memref<!tpu.dma_semaphore, #tpu.memory_space<semaphore_mem>>)
      %dma_wait3A_81 = tpu.memref_slice %arg5[%mul3A_38] : memref<2048xi32, #tpu.memory_space<vmem>> -> memref<128xi32, #tpu.memory_space<vmem>>
      %dma_wait3A_82 = arith.constant 0 : i32
      %dma_wait3A_83 = arith.constant 0 : i32
      %dma_wait3A_84 = tpu.memref_slice %arg2[%dma_wait3A_82, %dma_wait3A_83] : memref<65536x128xf32, #tpu.memory_space<hbm>> -> memref<65536x128xf32, #tpu.memory_space<hbm>>
      tpu.wait_indirect_dma semaphore(%arg13 : memref<!tpu.dma_semaphore, #tpu.memory_space<semaphore_mem>>) src(%dma_wait3A_84 : memref<65536x128xf32, #tpu.memory_space<hbm>>) dst(%arg9 : memref<128x128xf32, #tpu.memory_space<vmem>>)
      %add3A_85 = arith.constant 3 : i32
      %add3A_86 = arith.addi %add3A_11, %add3A_85 : i32
      %mul3A_87 = arith.constant 128 : i32
      %mul3A_88 = arith.muli %add3A_86, %mul3A_87 : i32
      %add3A_89 = arith.addi %mul3A_2, %mul3A_88 : i32
      %dma_start3A_90 = arith.constant 0 : i32
      %dma_start3A_91 = tpu.memref_slice %arg4[%add3A_89, %dma_start3A_90] : memref<65536x128xf32, #tpu.memory_space<hbm>> -> memref<128x128xf32, #tpu.memory_space<hbm>>
      %dma_start3A_92 = arith.constant 0 : i32
      %dma_start3A_93 = tpu.memref_slice %arg4[%add3A_89, %dma_start3A_92] : memref<65536x128xf32, #tpu.memory_space<hbm>> -> memref<128x128xf32, #tpu.memory_space<hbm>>
      tpu.enqueue_dma source(%arg9 : memref<128x128xf32, #tpu.memory_space<vmem>>) target(%dma_start3A_93 : memref<128x128xf32, #tpu.memory_space<hbm>>) target_semaphore(%arg17 : memref<!tpu.dma_semaphore, #tpu.memory_space<semaphore_mem>>)
      %dma_wait3A_94 = arith.constant 0 : i32
      %dma_wait3A_95 = tpu.memref_slice %arg4[%add3A_50, %dma_wait3A_94] : memref<65536x128xf32, #tpu.memory_space<hbm>> -> memref<128x128xf32, #tpu.memory_space<hbm>>
      %dma_wait3A_96 = arith.constant 0 : i32
      %dma_wait3A_97 = tpu.memref_slice %arg4[%add3A_50, %dma_wait3A_96] : memref<65536x128xf32, #tpu.memory_space<hbm>> -> memref<128x128xf32, #tpu.memory_space<hbm>>
      tpu.wait_dma2 semaphore(%arg14 : memref<!tpu.dma_semaphore, #tpu.memory_space<semaphore_mem>>) src(%arg6 : memref<128x128xf32, #tpu.memory_space<vmem>>) dst(%dma_wait3A_97 : memref<128x128xf32, #tpu.memory_space<hbm>>)
      %dma_wait3A_98 = arith.constant 0 : i32
      %dma_wait3A_99 = tpu.memref_slice %arg4[%add3A_63, %dma_wait3A_98] : memref<65536x128xf32, #tpu.memory_space<hbm>> -> memref<128x128xf32, #tpu.memory_space<hbm>>
      %dma_wait3A_100 = arith.constant 0 : i32
      %dma_wait3A_101 = tpu.memref_slice %arg4[%add3A_63, %dma_wait3A_100] : memref<65536x128xf32, #tpu.memory_space<hbm>> -> memref<128x128xf32, #tpu.memory_space<hbm>>
      tpu.wait_dma2 semaphore(%arg15 : memref<!tpu.dma_semaphore, #tpu.memory_space<semaphore_mem>>) src(%arg7 : memref<128x128xf32, #tpu.memory_space<vmem>>) dst(%dma_wait3A_101 : memref<128x128xf32, #tpu.memory_space<hbm>>)
      %dma_wait3A_102 = arith.constant 0 : i32
      %dma_wait3A_103 = tpu.memref_slice %arg4[%add3A_76, %dma_wait3A_102] : memref<65536x128xf32, #tpu.memory_space<hbm>> -> memref<128x128xf32, #tpu.memory_space<hbm>>
      %dma_wait3A_104 = arith.constant 0 : i32
      %dma_wait3A_105 = tpu.memref_slice %arg4[%add3A_76, %dma_wait3A_104] : memref<65536x128xf32, #tpu.memory_space<hbm>> -> memref<128x128xf32, #tpu.memory_space<hbm>>
      tpu.wait_dma2 semaphore(%arg16 : memref<!tpu.dma_semaphore, #tpu.memory_space<semaphore_mem>>) src(%arg8 : memref<128x128xf32, #tpu.memory_space<vmem>>) dst(%dma_wait3A_105 : memref<128x128xf32, #tpu.memory_space<hbm>>)
      %dma_wait3A_106 = arith.constant 0 : i32
      %dma_wait3A_107 = tpu.memref_slice %arg4[%add3A_89, %dma_wait3A_106] : memref<65536x128xf32, #tpu.memory_space<hbm>> -> memref<128x128xf32, #tpu.memory_space<hbm>>
      %dma_wait3A_108 = arith.constant 0 : i32
      %dma_wait3A_109 = tpu.memref_slice %arg4[%add3A_89, %dma_wait3A_108] : memref<65536x128xf32, #tpu.memory_space<hbm>> -> memref<128x128xf32, #tpu.memory_space<hbm>>
      tpu.wait_dma2 semaphore(%arg17 : memref<!tpu.dma_semaphore, #tpu.memory_space<semaphore_mem>>) src(%arg9 : memref<128x128xf32, #tpu.memory_space<vmem>>) dst(%dma_wait3A_109 : memref<128x128xf32, #tpu.memory_space<hbm>>)
    }
    %scan3A_6 = arith.constant 4 : i32
    return
  }
}

#map = affine_map<(d0, d1) -> (0, 0)>
#map1 = affine_map<(d0, d1) -> (0)>
module attributes {stable_mosaic.version = 14 : i64} {
  func.func @gather_kernel(%arg0: i32, %arg1: i32, %arg2: memref<65536x128xf32, #tpu.memory_space<hbm>>, %arg3: memref<65536xi32, #tpu.memory_space<hbm>>, %arg4: memref<65536x128xf32, #tpu.memory_space<hbm>>, %arg5: memref<2048xi32, #tpu.memory_space<vmem>>, %arg6: memref<128x128xf32, #tpu.memory_space<vmem>>, %arg7: memref<128x128xf32, #tpu.memory_space<vmem>>, %arg8: memref<128x128xf32, #tpu.memory_space<vmem>>, %arg9: memref<128x128xf32, #tpu.memory_space<vmem>>, %arg10: memref<!tpu.dma_semaphore, #tpu.memory_space<semaphore_mem>>, %arg11: memref<!tpu.dma_semaphore, #tpu.memory_space<semaphore_mem>>, %arg12: memref<!tpu.dma_semaphore, #tpu.memory_space<semaphore_mem>>, %arg13: memref<!tpu.dma_semaphore, #tpu.memory_space<semaphore_mem>>, %arg14: memref<!tpu.dma_semaphore, #tpu.memory_space<semaphore_mem>>, %arg15: memref<!tpu.dma_semaphore, #tpu.memory_space<semaphore_mem>>, %arg16: memref<!tpu.dma_semaphore, #tpu.memory_space<semaphore_mem>>, %arg17: memref<!tpu.dma_semaphore, #tpu.memory_space<semaphore_mem>>) attributes {dimension_semantics = [#tpu.dimension_semantics<core_parallel>, #tpu.dimension_semantics<subcore_parallel>], iteration_bounds = array<i64: 2, 16>, scalar_prefetch = 0 : i64, scratch_operands = 13 : i64, tpu.core_type = #tpu.core_type<sc_vector_subcore>, window_params = [{transform_indices = #map}, {transform_indices = #map1}, {transform_indices = #map}]} {
    %mul3A = arith.constant 2 : i32
    %mul3A_0 = arith.muli %arg1, %mul3A : i32
    %add3A = arith.addi %mul3A_0, %arg0 : i32
    %mul3A_1 = arith.constant 2048 : i32
    %mul3A_2 = arith.muli %add3A, %mul3A_1 : i32
    "tpu.region"() ({
      %run_scoped3A = tpu.sem_alloc : memref<!tpu.dma_semaphore, #tpu.memory_space<semaphore_mem>>
      %dma_start3A = tpu.memref_slice %arg3[%mul3A_2] : memref<65536xi32, #tpu.memory_space<hbm>> -> memref<2048xi32, #tpu.memory_space<hbm>>
      %dma_start3A_7 = tpu.memref_slice %arg3[%mul3A_2] : memref<65536xi32, #tpu.memory_space<hbm>> -> memref<2048xi32, #tpu.memory_space<hbm>>
      tpu.enqueue_dma source(%dma_start3A_7 : memref<2048xi32, #tpu.memory_space<hbm>>) target(%arg5 : memref<2048xi32, #tpu.memory_space<vmem>>) target_semaphore(%run_scoped3A : memref<!tpu.dma_semaphore, #tpu.memory_space<semaphore_mem>>)
      %dma_wait3A = tpu.memref_slice %arg3[%mul3A_2] : memref<65536xi32, #tpu.memory_space<hbm>> -> memref<2048xi32, #tpu.memory_space<hbm>>
      %dma_wait3A_8 = tpu.memref_slice %arg3[%mul3A_2] : memref<65536xi32, #tpu.memory_space<hbm>> -> memref<2048xi32, #tpu.memory_space<hbm>>
      tpu.wait_dma2 semaphore(%run_scoped3A : memref<!tpu.dma_semaphore, #tpu.memory_space<semaphore_mem>>) src(%dma_wait3A_8 : memref<2048xi32, #tpu.memory_space<hbm>>) dst(%arg5 : memref<2048xi32, #tpu.memory_space<vmem>>)
      tpu.yield
    }) : () -> ()
    %scan3A = arith.constant 0 : i32
    %scan3A_3 = arith.constant 4 : i32
    %scan3A_4 = arith.addi %scan3A, %scan3A_3 : i32
    %scan3A_5 = arith.constant 1 : i32
    scf.for %scan3A_7 = %scan3A to %scan3A_4 step %scan3A_5  : i32 {
      %mul3A_8 = arith.constant 4 : i32
      %mul3A_9 = arith.muli %scan3A_7, %mul3A_8 : i32
      %add3A_10 = arith.constant 0 : i32
      %add3A_11 = arith.addi %add3A_10, %mul3A_9 : i32
      %add3A_12 = arith.constant 0 : i32
      %add3A_13 = arith.addi %add3A_11, %add3A_12 : i32
      %mul3A_14 = arith.constant 128 : i32
      %mul3A_15 = arith.muli %add3A_13, %mul3A_14 : i32
      %dma_start3A = tpu.memref_slice %arg5[%mul3A_15] : memref<2048xi32, #tpu.memory_space<vmem>> -> memref<128xi32, #tpu.memory_space<vmem>>
      %dma_start3A_16 = arith.constant 0 : i32
      %dma_start3A_17 = arith.constant 0 : i32
      %dma_start3A_18 = tpu.memref_slice %arg2[%dma_start3A_16, %dma_start3A_17] : memref<65536x128xf32, #tpu.memory_space<hbm>> -> memref<65536x128xf32, #tpu.memory_space<hbm>>
      tpu.enqueue_indirect_dma source(%dma_start3A_18 : memref<65536x128xf32, #tpu.memory_space<hbm>>) target(%arg6 : memref<128x128xf32, #tpu.memory_space<vmem>>) offsets(%dma_start3A : memref<128xi32, #tpu.memory_space<vmem>>) semaphore(%arg10 : memref<!tpu.dma_semaphore, #tpu.memory_space<semaphore_mem>>)
      %add3A_19 = arith.constant 1 : i32
      %add3A_20 = arith.addi %add3A_11, %add3A_19 : i32
      %mul3A_21 = arith.constant 128 : i32
      %mul3A_22 = arith.muli %add3A_20, %mul3A_21 : i32
      %dma_start3A_23 = tpu.memref_slice %arg5[%mul3A_22] : memref<2048xi32, #tpu.memory_space<vmem>> -> memref<128xi32, #tpu.memory_space<vmem>>
      %dma_start3A_24 = arith.constant 0 : i32
      %dma_start3A_25 = arith.constant 0 : i32
      %dma_start3A_26 = tpu.memref_slice %arg2[%dma_start3A_24, %dma_start3A_25] : memref<65536x128xf32, #tpu.memory_space<hbm>> -> memref<65536x128xf32, #tpu.memory_space<hbm>>
      tpu.enqueue_indirect_dma source(%dma_start3A_26 : memref<65536x128xf32, #tpu.memory_space<hbm>>) target(%arg7 : memref<128x128xf32, #tpu.memory_space<vmem>>) offsets(%dma_start3A_23 : memref<128xi32, #tpu.memory_space<vmem>>) semaphore(%arg11 : memref<!tpu.dma_semaphore, #tpu.memory_space<semaphore_mem>>)
      %add3A_27 = arith.constant 2 : i32
      %add3A_28 = arith.addi %add3A_11, %add3A_27 : i32
      %mul3A_29 = arith.constant 128 : i32
      %mul3A_30 = arith.muli %add3A_28, %mul3A_29 : i32
      %dma_start3A_31 = tpu.memref_slice %arg5[%mul3A_30] : memref<2048xi32, #tpu.memory_space<vmem>> -> memref<128xi32, #tpu.memory_space<vmem>>
      %dma_start3A_32 = arith.constant 0 : i32
      %dma_start3A_33 = arith.constant 0 : i32
      %dma_start3A_34 = tpu.memref_slice %arg2[%dma_start3A_32, %dma_start3A_33] : memref<65536x128xf32, #tpu.memory_space<hbm>> -> memref<65536x128xf32, #tpu.memory_space<hbm>>
      tpu.enqueue_indirect_dma source(%dma_start3A_34 : memref<65536x128xf32, #tpu.memory_space<hbm>>) target(%arg8 : memref<128x128xf32, #tpu.memory_space<vmem>>) offsets(%dma_start3A_31 : memref<128xi32, #tpu.memory_space<vmem>>) semaphore(%arg12 : memref<!tpu.dma_semaphore, #tpu.memory_space<semaphore_mem>>)
      %add3A_35 = arith.constant 3 : i32
      %add3A_36 = arith.addi %add3A_11, %add3A_35 : i32
      %mul3A_37 = arith.constant 128 : i32
      %mul3A_38 = arith.muli %add3A_36, %mul3A_37 : i32
      %dma_start3A_39 = tpu.memref_slice %arg5[%mul3A_38] : memref<2048xi32, #tpu.memory_space<vmem>> -> memref<128xi32, #tpu.memory_space<vmem>>
      %dma_start3A_40 = arith.constant 0 : i32
      %dma_start3A_41 = arith.constant 0 : i32
      %dma_start3A_42 = tpu.memref_slice %arg2[%dma_start3A_40, %dma_start3A_41] : memref<65536x128xf32, #tpu.memory_space<hbm>> -> memref<65536x128xf32, #tpu.memory_space<hbm>>
      tpu.enqueue_indirect_dma source(%dma_start3A_42 : memref<65536x128xf32, #tpu.memory_space<hbm>>) target(%arg9 : memref<128x128xf32, #tpu.memory_space<vmem>>) offsets(%dma_start3A_39 : memref<128xi32, #tpu.memory_space<vmem>>) semaphore(%arg13 : memref<!tpu.dma_semaphore, #tpu.memory_space<semaphore_mem>>)
      %dma_wait3A = tpu.memref_slice %arg5[%mul3A_15] : memref<2048xi32, #tpu.memory_space<vmem>> -> memref<128xi32, #tpu.memory_space<vmem>>
      %dma_wait3A_43 = arith.constant 0 : i32
      %dma_wait3A_44 = arith.constant 0 : i32
      %dma_wait3A_45 = tpu.memref_slice %arg2[%dma_wait3A_43, %dma_wait3A_44] : memref<65536x128xf32, #tpu.memory_space<hbm>> -> memref<65536x128xf32, #tpu.memory_space<hbm>>
      tpu.wait_indirect_dma semaphore(%arg10 : memref<!tpu.dma_semaphore, #tpu.memory_space<semaphore_mem>>) src(%dma_wait3A_45 : memref<65536x128xf32, #tpu.memory_space<hbm>>) dst(%arg6 : memref<128x128xf32, #tpu.memory_space<vmem>>)
      %add3A_46 = arith.constant 0 : i32
      %add3A_47 = arith.addi %add3A_11, %add3A_46 : i32
      %mul3A_48 = arith.constant 128 : i32
      %mul3A_49 = arith.muli %add3A_47, %mul3A_48 : i32
      %add3A_50 = arith.addi %mul3A_2, %mul3A_49 : i32
      %dma_start3A_51 = arith.constant 0 : i32
      %dma_start3A_52 = tpu.memref_slice %arg4[%add3A_50, %dma_start3A_51] : memref<65536x128xf32, #tpu.memory_space<hbm>> -> memref<128x128xf32, #tpu.memory_space<hbm>>
      %dma_start3A_53 = arith.constant 0 : i32
      %dma_start3A_54 = tpu.memref_slice %arg4[%add3A_50, %dma_start3A_53] : memref<65536x128xf32, #tpu.memory_space<hbm>> -> memref<128x128xf32, #tpu.memory_space<hbm>>
      tpu.enqueue_dma source(%arg6 : memref<128x128xf32, #tpu.memory_space<vmem>>) target(%dma_start3A_54 : memref<128x128xf32, #tpu.memory_space<hbm>>) target_semaphore(%arg14 : memref<!tpu.dma_semaphore, #tpu.memory_space<semaphore_mem>>)
      %dma_wait3A_55 = tpu.memref_slice %arg5[%mul3A_22] : memref<2048xi32, #tpu.memory_space<vmem>> -> memref<128xi32, #tpu.memory_space<vmem>>
      %dma_wait3A_56 = arith.constant 0 : i32
      %dma_wait3A_57 = arith.constant 0 : i32
      %dma_wait3A_58 = tpu.memref_slice %arg2[%dma_wait3A_56, %dma_wait3A_57] : memref<65536x128xf32, #tpu.memory_space<hbm>> -> memref<65536x128xf32, #tpu.memory_space<hbm>>
      tpu.wait_indirect_dma semaphore(%arg11 : memref<!tpu.dma_semaphore, #tpu.memory_space<semaphore_mem>>) src(%dma_wait3A_58 : memref<65536x128xf32, #tpu.memory_space<hbm>>) dst(%arg7 : memref<128x128xf32, #tpu.memory_space<vmem>>)
      %add3A_59 = arith.constant 1 : i32
      %add3A_60 = arith.addi %add3A_11, %add3A_59 : i32
      %mul3A_61 = arith.constant 128 : i32
      %mul3A_62 = arith.muli %add3A_60, %mul3A_61 : i32
      %add3A_63 = arith.addi %mul3A_2, %mul3A_62 : i32
      %dma_start3A_64 = arith.constant 0 : i32
      %dma_start3A_65 = tpu.memref_slice %arg4[%add3A_63, %dma_start3A_64] : memref<65536x128xf32, #tpu.memory_space<hbm>> -> memref<128x128xf32, #tpu.memory_space<hbm>>
      %dma_start3A_66 = arith.constant 0 : i32
      %dma_start3A_67 = tpu.memref_slice %arg4[%add3A_63, %dma_start3A_66] : memref<65536x128xf32, #tpu.memory_space<hbm>> -> memref<128x128xf32, #tpu.memory_space<hbm>>
      tpu.enqueue_dma source(%arg7 : memref<128x128xf32, #tpu.memory_space<vmem>>) target(%dma_start3A_67 : memref<128x128xf32, #tpu.memory_space<hbm>>) target_semaphore(%arg15 : memref<!tpu.dma_semaphore, #tpu.memory_space<semaphore_mem>>)
      %dma_wait3A_68 = tpu.memref_slice %arg5[%mul3A_30] : memref<2048xi32, #tpu.memory_space<vmem>> -> memref<128xi32, #tpu.memory_space<vmem>>
      %dma_wait3A_69 = arith.constant 0 : i32
      %dma_wait3A_70 = arith.constant 0 : i32
      %dma_wait3A_71 = tpu.memref_slice %arg2[%dma_wait3A_69, %dma_wait3A_70] : memref<65536x128xf32, #tpu.memory_space<hbm>> -> memref<65536x128xf32, #tpu.memory_space<hbm>>
      tpu.wait_indirect_dma semaphore(%arg12 : memref<!tpu.dma_semaphore, #tpu.memory_space<semaphore_mem>>) src(%dma_wait3A_71 : memref<65536x128xf32, #tpu.memory_space<hbm>>) dst(%arg8 : memref<128x128xf32, #tpu.memory_space<vmem>>)
      %add3A_72 = arith.constant 2 : i32
      %add3A_73 = arith.addi %add3A_11, %add3A_72 : i32
      %mul3A_74 = arith.constant 128 : i32
      %mul3A_75 = arith.muli %add3A_73, %mul3A_74 : i32
      %add3A_76 = arith.addi %mul3A_2, %mul3A_75 : i32
      %dma_start3A_77 = arith.constant 0 : i32
      %dma_start3A_78 = tpu.memref_slice %arg4[%add3A_76, %dma_start3A_77] : memref<65536x128xf32, #tpu.memory_space<hbm>> -> memref<128x128xf32, #tpu.memory_space<hbm>>
      %dma_start3A_79 = arith.constant 0 : i32
      %dma_start3A_80 = tpu.memref_slice %arg4[%add3A_76, %dma_start3A_79] : memref<65536x128xf32, #tpu.memory_space<hbm>> -> memref<128x128xf32, #tpu.memory_space<hbm>>
      tpu.enqueue_dma source(%arg8 : memref<128x128xf32, #tpu.memory_space<vmem>>) target(%dma_start3A_80 : memref<128x128xf32, #tpu.memory_space<hbm>>) target_semaphore(%arg16 : memref<!tpu.dma_semaphore, #tpu.memory_space<semaphore_mem>>)
      %dma_wait3A_81 = tpu.memref_slice %arg5[%mul3A_38] : memref<2048xi32, #tpu.memory_space<vmem>> -> memref<128xi32, #tpu.memory_space<vmem>>
      %dma_wait3A_82 = arith.constant 0 : i32
      %dma_wait3A_83 = arith.constant 0 : i32
      %dma_wait3A_84 = tpu.memref_slice %arg2[%dma_wait3A_82, %dma_wait3A_83] : memref<65536x128xf32, #tpu.memory_space<hbm>> -> memref<65536x128xf32, #tpu.memory_space<hbm>>
      tpu.wait_indirect_dma semaphore(%arg13 : memref<!tpu.dma_semaphore, #tpu.memory_space<semaphore_mem>>) src(%dma_wait3A_84 : memref<65536x128xf32, #tpu.memory_space<hbm>>) dst(%arg9 : memref<128x128xf32, #tpu.memory_space<vmem>>)
      %add3A_85 = arith.constant 3 : i32
      %add3A_86 = arith.addi %add3A_11, %add3A_85 : i32
      %mul3A_87 = arith.constant 128 : i32
      %mul3A_88 = arith.muli %add3A_86, %mul3A_87 : i32
      %add3A_89 = arith.addi %mul3A_2, %mul3A_88 : i32
      %dma_start3A_90 = arith.constant 0 : i32
      %dma_start3A_91 = tpu.memref_slice %arg4[%add3A_89, %dma_start3A_90] : memref<65536x128xf32, #tpu.memory_space<hbm>> -> memref<128x128xf32, #tpu.memory_space<hbm>>
      %dma_start3A_92 = arith.constant 0 : i32
      %dma_start3A_93 = tpu.memref_slice %arg4[%add3A_89, %dma_start3A_92] : memref<65536x128xf32, #tpu.memory_space<hbm>> -> memref<128x128xf32, #tpu.memory_space<hbm>>
      tpu.enqueue_dma source(%arg9 : memref<128x128xf32, #tpu.memory_space<vmem>>) target(%dma_start3A_93 : memref<128x128xf32, #tpu.memory_space<hbm>>) target_semaphore(%arg17 : memref<!tpu.dma_semaphore, #tpu.memory_space<semaphore_mem>>)
      %dma_wait3A_94 = arith.constant 0 : i32
      %dma_wait3A_95 = tpu.memref_slice %arg4[%add3A_50, %dma_wait3A_94] : memref<65536x128xf32, #tpu.memory_space<hbm>> -> memref<128x128xf32, #tpu.memory_space<hbm>>
      %dma_wait3A_96 = arith.constant 0 : i32
      %dma_wait3A_97 = tpu.memref_slice %arg4[%add3A_50, %dma_wait3A_96] : memref<65536x128xf32, #tpu.memory_space<hbm>> -> memref<128x128xf32, #tpu.memory_space<hbm>>
      tpu.wait_dma2 semaphore(%arg14 : memref<!tpu.dma_semaphore, #tpu.memory_space<semaphore_mem>>) src(%arg6 : memref<128x128xf32, #tpu.memory_space<vmem>>) dst(%dma_wait3A_97 : memref<128x128xf32, #tpu.memory_space<hbm>>)
      %dma_wait3A_98 = arith.constant 0 : i32
      %dma_wait3A_99 = tpu.memref_slice %arg4[%add3A_63, %dma_wait3A_98] : memref<65536x128xf32, #tpu.memory_space<hbm>> -> memref<128x128xf32, #tpu.memory_space<hbm>>
      %dma_wait3A_100 = arith.constant 0 : i32
      %dma_wait3A_101 = tpu.memref_slice %arg4[%add3A_63, %dma_wait3A_100] : memref<65536x128xf32, #tpu.memory_space<hbm>> -> memref<128x128xf32, #tpu.memory_space<hbm>>
      tpu.wait_dma2 semaphore(%arg15 : memref<!tpu.dma_semaphore, #tpu.memory_space<semaphore_mem>>) src(%arg7 : memref<128x128xf32, #tpu.memory_space<vmem>>) dst(%dma_wait3A_101 : memref<128x128xf32, #tpu.memory_space<hbm>>)
      %dma_wait3A_102 = arith.constant 0 : i32
      %dma_wait3A_103 = tpu.memref_slice %arg4[%add3A_76, %dma_wait3A_102] : memref<65536x128xf32, #tpu.memory_space<hbm>> -> memref<128x128xf32, #tpu.memory_space<hbm>>
      %dma_wait3A_104 = arith.constant 0 : i32
      %dma_wait3A_105 = tpu.memref_slice %arg4[%add3A_76, %dma_wait3A_104] : memref<65536x128xf32, #tpu.memory_space<hbm>> -> memref<128x128xf32, #tpu.memory_space<hbm>>
      tpu.wait_dma2 semaphore(%arg16 : memref<!tpu.dma_semaphore, #tpu.memory_space<semaphore_mem>>) src(%arg8 : memref<128x128xf32, #tpu.memory_space<vmem>>) dst(%dma_wait3A_105 : memref<128x128xf32, #tpu.memory_space<hbm>>)
      %dma_wait3A_106 = arith.constant 0 : i32
      %dma_wait3A_107 = tpu.memref_slice %arg4[%add3A_89, %dma_wait3A_106] : memref<65536x128xf32, #tpu.memory_space<hbm>> -> memref<128x128xf32, #tpu.memory_space<hbm>>
      %dma_wait3A_108 = arith.constant 0 : i32
      %dma_wait3A_109 = tpu.memref_slice %arg4[%add3A_89, %dma_wait3A_108] : memref<65536x128xf32, #tpu.memory_space<hbm>> -> memref<128x128xf32, #tpu.memory_space<hbm>>
      tpu.wait_dma2 semaphore(%arg17 : memref<!tpu.dma_semaphore, #tpu.memory_space<semaphore_mem>>) src(%arg9 : memref<128x128xf32, #tpu.memory_space<vmem>>) dst(%dma_wait3A_109 : memref<128x128xf32, #tpu.memory_space<hbm>>)
    }
    %scan3A_6 = arith.constant 4 : i32
    return
  }
}

#map = affine_map<(d0, d1) -> (0, 0)>
#map1 = affine_map<(d0, d1) -> (0)>
module attributes {stable_mosaic.version = 14 : i64} {
  func.func @gather_kernel(%arg0: i32, %arg1: i32, %arg2: memref<65536x128xf32, #tpu.memory_space<hbm>>, %arg3: memref<65536xi32, #tpu.memory_space<hbm>>, %arg4: memref<65536x128xf32, #tpu.memory_space<hbm>>, %arg5: memref<2048xi32, #tpu.memory_space<vmem>>, %arg6: memref<128x128xf32, #tpu.memory_space<vmem>>, %arg7: memref<128x128xf32, #tpu.memory_space<vmem>>, %arg8: memref<128x128xf32, #tpu.memory_space<vmem>>, %arg9: memref<128x128xf32, #tpu.memory_space<vmem>>, %arg10: memref<!tpu.dma_semaphore, #tpu.memory_space<semaphore_mem>>, %arg11: memref<!tpu.dma_semaphore, #tpu.memory_space<semaphore_mem>>, %arg12: memref<!tpu.dma_semaphore, #tpu.memory_space<semaphore_mem>>, %arg13: memref<!tpu.dma_semaphore, #tpu.memory_space<semaphore_mem>>, %arg14: memref<!tpu.dma_semaphore, #tpu.memory_space<semaphore_mem>>, %arg15: memref<!tpu.dma_semaphore, #tpu.memory_space<semaphore_mem>>, %arg16: memref<!tpu.dma_semaphore, #tpu.memory_space<semaphore_mem>>, %arg17: memref<!tpu.dma_semaphore, #tpu.memory_space<semaphore_mem>>) attributes {dimension_semantics = [#tpu.dimension_semantics<core_parallel>, #tpu.dimension_semantics<subcore_parallel>], iteration_bounds = array<i64: 2, 16>, scalar_prefetch = 0 : i64, scratch_operands = 13 : i64, tpu.core_type = #tpu.core_type<sc_vector_subcore>, window_params = [{transform_indices = #map}, {transform_indices = #map1}, {transform_indices = #map}]} {
    %mul3A = arith.constant 2 : i32
    %mul3A_0 = arith.muli %arg1, %mul3A : i32
    %add3A = arith.addi %mul3A_0, %arg0 : i32
    %mul3A_1 = arith.constant 2048 : i32
    %mul3A_2 = arith.muli %add3A, %mul3A_1 : i32
    "tpu.region"() ({
      %run_scoped3A = tpu.sem_alloc : memref<!tpu.dma_semaphore, #tpu.memory_space<semaphore_mem>>
      %dma_start3A = tpu.memref_slice %arg3[%mul3A_2] : memref<65536xi32, #tpu.memory_space<hbm>> -> memref<2048xi32, #tpu.memory_space<hbm>>
      %dma_start3A_7 = tpu.memref_slice %arg3[%mul3A_2] : memref<65536xi32, #tpu.memory_space<hbm>> -> memref<2048xi32, #tpu.memory_space<hbm>>
      tpu.enqueue_dma source(%dma_start3A_7 : memref<2048xi32, #tpu.memory_space<hbm>>) target(%arg5 : memref<2048xi32, #tpu.memory_space<vmem>>) target_semaphore(%run_scoped3A : memref<!tpu.dma_semaphore, #tpu.memory_space<semaphore_mem>>)
      %dma_wait3A = tpu.memref_slice %arg3[%mul3A_2] : memref<65536xi32, #tpu.memory_space<hbm>> -> memref<2048xi32, #tpu.memory_space<hbm>>
      %dma_wait3A_8 = tpu.memref_slice %arg3[%mul3A_2] : memref<65536xi32, #tpu.memory_space<hbm>> -> memref<2048xi32, #tpu.memory_space<hbm>>
      tpu.wait_dma2 semaphore(%run_scoped3A : memref<!tpu.dma_semaphore, #tpu.memory_space<semaphore_mem>>) src(%dma_wait3A_8 : memref<2048xi32, #tpu.memory_space<hbm>>) dst(%arg5 : memref<2048xi32, #tpu.memory_space<vmem>>)
      tpu.yield
    }) : () -> ()
    %scan3A = arith.constant 0 : i32
    %scan3A_3 = arith.constant 4 : i32
    %scan3A_4 = arith.addi %scan3A, %scan3A_3 : i32
    %scan3A_5 = arith.constant 1 : i32
    scf.for %scan3A_7 = %scan3A to %scan3A_4 step %scan3A_5  : i32 {
      %mul3A_8 = arith.constant 4 : i32
      %mul3A_9 = arith.muli %scan3A_7, %mul3A_8 : i32
      %add3A_10 = arith.constant 0 : i32
      %add3A_11 = arith.addi %add3A_10, %mul3A_9 : i32
      %add3A_12 = arith.constant 0 : i32
      %add3A_13 = arith.addi %add3A_11, %add3A_12 : i32
      %mul3A_14 = arith.constant 128 : i32
      %mul3A_15 = arith.muli %add3A_13, %mul3A_14 : i32
      %dma_start3A = tpu.memref_slice %arg5[%mul3A_15] : memref<2048xi32, #tpu.memory_space<vmem>> -> memref<128xi32, #tpu.memory_space<vmem>>
      %dma_start3A_16 = arith.constant 0 : i32
      %dma_start3A_17 = arith.constant 0 : i32
      %dma_start3A_18 = tpu.memref_slice %arg2[%dma_start3A_16, %dma_start3A_17] : memref<65536x128xf32, #tpu.memory_space<hbm>> -> memref<65536x128xf32, #tpu.memory_space<hbm>>
      tpu.enqueue_indirect_dma source(%dma_start3A_18 : memref<65536x128xf32, #tpu.memory_space<hbm>>) target(%arg6 : memref<128x128xf32, #tpu.memory_space<vmem>>) offsets(%dma_start3A : memref<128xi32, #tpu.memory_space<vmem>>) semaphore(%arg10 : memref<!tpu.dma_semaphore, #tpu.memory_space<semaphore_mem>>)
      %add3A_19 = arith.constant 1 : i32
      %add3A_20 = arith.addi %add3A_11, %add3A_19 : i32
      %mul3A_21 = arith.constant 128 : i32
      %mul3A_22 = arith.muli %add3A_20, %mul3A_21 : i32
      %dma_start3A_23 = tpu.memref_slice %arg5[%mul3A_22] : memref<2048xi32, #tpu.memory_space<vmem>> -> memref<128xi32, #tpu.memory_space<vmem>>
      %dma_start3A_24 = arith.constant 0 : i32
      %dma_start3A_25 = arith.constant 0 : i32
      %dma_start3A_26 = tpu.memref_slice %arg2[%dma_start3A_24, %dma_start3A_25] : memref<65536x128xf32, #tpu.memory_space<hbm>> -> memref<65536x128xf32, #tpu.memory_space<hbm>>
      tpu.enqueue_indirect_dma source(%dma_start3A_26 : memref<65536x128xf32, #tpu.memory_space<hbm>>) target(%arg7 : memref<128x128xf32, #tpu.memory_space<vmem>>) offsets(%dma_start3A_23 : memref<128xi32, #tpu.memory_space<vmem>>) semaphore(%arg11 : memref<!tpu.dma_semaphore, #tpu.memory_space<semaphore_mem>>)
      %add3A_27 = arith.constant 2 : i32
      %add3A_28 = arith.addi %add3A_11, %add3A_27 : i32
      %mul3A_29 = arith.constant 128 : i32
      %mul3A_30 = arith.muli %add3A_28, %mul3A_29 : i32
      %dma_start3A_31 = tpu.memref_slice %arg5[%mul3A_30] : memref<2048xi32, #tpu.memory_space<vmem>> -> memref<128xi32, #tpu.memory_space<vmem>>
      %dma_start3A_32 = arith.constant 0 : i32
      %dma_start3A_33 = arith.constant 0 : i32
      %dma_start3A_34 = tpu.memref_slice %arg2[%dma_start3A_32, %dma_start3A_33] : memref<65536x128xf32, #tpu.memory_space<hbm>> -> memref<65536x128xf32, #tpu.memory_space<hbm>>
      tpu.enqueue_indirect_dma source(%dma_start3A_34 : memref<65536x128xf32, #tpu.memory_space<hbm>>) target(%arg8 : memref<128x128xf32, #tpu.memory_space<vmem>>) offsets(%dma_start3A_31 : memref<128xi32, #tpu.memory_space<vmem>>) semaphore(%arg12 : memref<!tpu.dma_semaphore, #tpu.memory_space<semaphore_mem>>)
      %add3A_35 = arith.constant 3 : i32
      %add3A_36 = arith.addi %add3A_11, %add3A_35 : i32
      %mul3A_37 = arith.constant 128 : i32
      %mul3A_38 = arith.muli %add3A_36, %mul3A_37 : i32
      %dma_start3A_39 = tpu.memref_slice %arg5[%mul3A_38] : memref<2048xi32, #tpu.memory_space<vmem>> -> memref<128xi32, #tpu.memory_space<vmem>>
      %dma_start3A_40 = arith.constant 0 : i32
      %dma_start3A_41 = arith.constant 0 : i32
      %dma_start3A_42 = tpu.memref_slice %arg2[%dma_start3A_40, %dma_start3A_41] : memref<65536x128xf32, #tpu.memory_space<hbm>> -> memref<65536x128xf32, #tpu.memory_space<hbm>>
      tpu.enqueue_indirect_dma source(%dma_start3A_42 : memref<65536x128xf32, #tpu.memory_space<hbm>>) target(%arg9 : memref<128x128xf32, #tpu.memory_space<vmem>>) offsets(%dma_start3A_39 : memref<128xi32, #tpu.memory_space<vmem>>) semaphore(%arg13 : memref<!tpu.dma_semaphore, #tpu.memory_space<semaphore_mem>>)
      %dma_wait3A = tpu.memref_slice %arg5[%mul3A_15] : memref<2048xi32, #tpu.memory_space<vmem>> -> memref<128xi32, #tpu.memory_space<vmem>>
      %dma_wait3A_43 = arith.constant 0 : i32
      %dma_wait3A_44 = arith.constant 0 : i32
      %dma_wait3A_45 = tpu.memref_slice %arg2[%dma_wait3A_43, %dma_wait3A_44] : memref<65536x128xf32, #tpu.memory_space<hbm>> -> memref<65536x128xf32, #tpu.memory_space<hbm>>
      tpu.wait_indirect_dma semaphore(%arg10 : memref<!tpu.dma_semaphore, #tpu.memory_space<semaphore_mem>>) src(%dma_wait3A_45 : memref<65536x128xf32, #tpu.memory_space<hbm>>) dst(%arg6 : memref<128x128xf32, #tpu.memory_space<vmem>>)
      %add3A_46 = arith.constant 0 : i32
      %add3A_47 = arith.addi %add3A_11, %add3A_46 : i32
      %mul3A_48 = arith.constant 128 : i32
      %mul3A_49 = arith.muli %add3A_47, %mul3A_48 : i32
      %add3A_50 = arith.addi %mul3A_2, %mul3A_49 : i32
      %dma_start3A_51 = arith.constant 0 : i32
      %dma_start3A_52 = tpu.memref_slice %arg4[%add3A_50, %dma_start3A_51] : memref<65536x128xf32, #tpu.memory_space<hbm>> -> memref<128x128xf32, #tpu.memory_space<hbm>>
      %dma_start3A_53 = arith.constant 0 : i32
      %dma_start3A_54 = tpu.memref_slice %arg4[%add3A_50, %dma_start3A_53] : memref<65536x128xf32, #tpu.memory_space<hbm>> -> memref<128x128xf32, #tpu.memory_space<hbm>>
      tpu.enqueue_dma source(%arg6 : memref<128x128xf32, #tpu.memory_space<vmem>>) target(%dma_start3A_54 : memref<128x128xf32, #tpu.memory_space<hbm>>) target_semaphore(%arg14 : memref<!tpu.dma_semaphore, #tpu.memory_space<semaphore_mem>>)
      %dma_wait3A_55 = tpu.memref_slice %arg5[%mul3A_22] : memref<2048xi32, #tpu.memory_space<vmem>> -> memref<128xi32, #tpu.memory_space<vmem>>
      %dma_wait3A_56 = arith.constant 0 : i32
      %dma_wait3A_57 = arith.constant 0 : i32
      %dma_wait3A_58 = tpu.memref_slice %arg2[%dma_wait3A_56, %dma_wait3A_57] : memref<65536x128xf32, #tpu.memory_space<hbm>> -> memref<65536x128xf32, #tpu.memory_space<hbm>>
      tpu.wait_indirect_dma semaphore(%arg11 : memref<!tpu.dma_semaphore, #tpu.memory_space<semaphore_mem>>) src(%dma_wait3A_58 : memref<65536x128xf32, #tpu.memory_space<hbm>>) dst(%arg7 : memref<128x128xf32, #tpu.memory_space<vmem>>)
      %add3A_59 = arith.constant 1 : i32
      %add3A_60 = arith.addi %add3A_11, %add3A_59 : i32
      %mul3A_61 = arith.constant 128 : i32
      %mul3A_62 = arith.muli %add3A_60, %mul3A_61 : i32
      %add3A_63 = arith.addi %mul3A_2, %mul3A_62 : i32
      %dma_start3A_64 = arith.constant 0 : i32
      %dma_start3A_65 = tpu.memref_slice %arg4[%add3A_63, %dma_start3A_64] : memref<65536x128xf32, #tpu.memory_space<hbm>> -> memref<128x128xf32, #tpu.memory_space<hbm>>
      %dma_start3A_66 = arith.constant 0 : i32
      %dma_start3A_67 = tpu.memref_slice %arg4[%add3A_63, %dma_start3A_66] : memref<65536x128xf32, #tpu.memory_space<hbm>> -> memref<128x128xf32, #tpu.memory_space<hbm>>
      tpu.enqueue_dma source(%arg7 : memref<128x128xf32, #tpu.memory_space<vmem>>) target(%dma_start3A_67 : memref<128x128xf32, #tpu.memory_space<hbm>>) target_semaphore(%arg15 : memref<!tpu.dma_semaphore, #tpu.memory_space<semaphore_mem>>)
      %dma_wait3A_68 = tpu.memref_slice %arg5[%mul3A_30] : memref<2048xi32, #tpu.memory_space<vmem>> -> memref<128xi32, #tpu.memory_space<vmem>>
      %dma_wait3A_69 = arith.constant 0 : i32
      %dma_wait3A_70 = arith.constant 0 : i32
      %dma_wait3A_71 = tpu.memref_slice %arg2[%dma_wait3A_69, %dma_wait3A_70] : memref<65536x128xf32, #tpu.memory_space<hbm>> -> memref<65536x128xf32, #tpu.memory_space<hbm>>
      tpu.wait_indirect_dma semaphore(%arg12 : memref<!tpu.dma_semaphore, #tpu.memory_space<semaphore_mem>>) src(%dma_wait3A_71 : memref<65536x128xf32, #tpu.memory_space<hbm>>) dst(%arg8 : memref<128x128xf32, #tpu.memory_space<vmem>>)
      %add3A_72 = arith.constant 2 : i32
      %add3A_73 = arith.addi %add3A_11, %add3A_72 : i32
      %mul3A_74 = arith.constant 128 : i32
      %mul3A_75 = arith.muli %add3A_73, %mul3A_74 : i32
      %add3A_76 = arith.addi %mul3A_2, %mul3A_75 : i32
      %dma_start3A_77 = arith.constant 0 : i32
      %dma_start3A_78 = tpu.memref_slice %arg4[%add3A_76, %dma_start3A_77] : memref<65536x128xf32, #tpu.memory_space<hbm>> -> memref<128x128xf32, #tpu.memory_space<hbm>>
      %dma_start3A_79 = arith.constant 0 : i32
      %dma_start3A_80 = tpu.memref_slice %arg4[%add3A_76, %dma_start3A_79] : memref<65536x128xf32, #tpu.memory_space<hbm>> -> memref<128x128xf32, #tpu.memory_space<hbm>>
      tpu.enqueue_dma source(%arg8 : memref<128x128xf32, #tpu.memory_space<vmem>>) target(%dma_start3A_80 : memref<128x128xf32, #tpu.memory_space<hbm>>) target_semaphore(%arg16 : memref<!tpu.dma_semaphore, #tpu.memory_space<semaphore_mem>>)
      %dma_wait3A_81 = tpu.memref_slice %arg5[%mul3A_38] : memref<2048xi32, #tpu.memory_space<vmem>> -> memref<128xi32, #tpu.memory_space<vmem>>
      %dma_wait3A_82 = arith.constant 0 : i32
      %dma_wait3A_83 = arith.constant 0 : i32
      %dma_wait3A_84 = tpu.memref_slice %arg2[%dma_wait3A_82, %dma_wait3A_83] : memref<65536x128xf32, #tpu.memory_space<hbm>> -> memref<65536x128xf32, #tpu.memory_space<hbm>>
      tpu.wait_indirect_dma semaphore(%arg13 : memref<!tpu.dma_semaphore, #tpu.memory_space<semaphore_mem>>) src(%dma_wait3A_84 : memref<65536x128xf32, #tpu.memory_space<hbm>>) dst(%arg9 : memref<128x128xf32, #tpu.memory_space<vmem>>)
      %add3A_85 = arith.constant 3 : i32
      %add3A_86 = arith.addi %add3A_11, %add3A_85 : i32
      %mul3A_87 = arith.constant 128 : i32
      %mul3A_88 = arith.muli %add3A_86, %mul3A_87 : i32
      %add3A_89 = arith.addi %mul3A_2, %mul3A_88 : i32
      %dma_start3A_90 = arith.constant 0 : i32
      %dma_start3A_91 = tpu.memref_slice %arg4[%add3A_89, %dma_start3A_90] : memref<65536x128xf32, #tpu.memory_space<hbm>> -> memref<128x128xf32, #tpu.memory_space<hbm>>
      %dma_start3A_92 = arith.constant 0 : i32
      %dma_start3A_93 = tpu.memref_slice %arg4[%add3A_89, %dma_start3A_92] : memref<65536x128xf32, #tpu.memory_space<hbm>> -> memref<128x128xf32, #tpu.memory_space<hbm>>
      tpu.enqueue_dma source(%arg9 : memref<128x128xf32, #tpu.memory_space<vmem>>) target(%dma_start3A_93 : memref<128x128xf32, #tpu.memory_space<hbm>>) target_semaphore(%arg17 : memref<!tpu.dma_semaphore, #tpu.memory_space<semaphore_mem>>)
      %dma_wait3A_94 = arith.constant 0 : i32
      %dma_wait3A_95 = tpu.memref_slice %arg4[%add3A_50, %dma_wait3A_94] : memref<65536x128xf32, #tpu.memory_space<hbm>> -> memref<128x128xf32, #tpu.memory_space<hbm>>
      %dma_wait3A_96 = arith.constant 0 : i32
      %dma_wait3A_97 = tpu.memref_slice %arg4[%add3A_50, %dma_wait3A_96] : memref<65536x128xf32, #tpu.memory_space<hbm>> -> memref<128x128xf32, #tpu.memory_space<hbm>>
      tpu.wait_dma2 semaphore(%arg14 : memref<!tpu.dma_semaphore, #tpu.memory_space<semaphore_mem>>) src(%arg6 : memref<128x128xf32, #tpu.memory_space<vmem>>) dst(%dma_wait3A_97 : memref<128x128xf32, #tpu.memory_space<hbm>>)
      %dma_wait3A_98 = arith.constant 0 : i32
      %dma_wait3A_99 = tpu.memref_slice %arg4[%add3A_63, %dma_wait3A_98] : memref<65536x128xf32, #tpu.memory_space<hbm>> -> memref<128x128xf32, #tpu.memory_space<hbm>>
      %dma_wait3A_100 = arith.constant 0 : i32
      %dma_wait3A_101 = tpu.memref_slice %arg4[%add3A_63, %dma_wait3A_100] : memref<65536x128xf32, #tpu.memory_space<hbm>> -> memref<128x128xf32, #tpu.memory_space<hbm>>
      tpu.wait_dma2 semaphore(%arg15 : memref<!tpu.dma_semaphore, #tpu.memory_space<semaphore_mem>>) src(%arg7 : memref<128x128xf32, #tpu.memory_space<vmem>>) dst(%dma_wait3A_101 : memref<128x128xf32, #tpu.memory_space<hbm>>)
      %dma_wait3A_102 = arith.constant 0 : i32
      %dma_wait3A_103 = tpu.memref_slice %arg4[%add3A_76, %dma_wait3A_102] : memref<65536x128xf32, #tpu.memory_space<hbm>> -> memref<128x128xf32, #tpu.memory_space<hbm>>
      %dma_wait3A_104 = arith.constant 0 : i32
      %dma_wait3A_105 = tpu.memref_slice %arg4[%add3A_76, %dma_wait3A_104] : memref<65536x128xf32, #tpu.memory_space<hbm>> -> memref<128x128xf32, #tpu.memory_space<hbm>>
      tpu.wait_dma2 semaphore(%arg16 : memref<!tpu.dma_semaphore, #tpu.memory_space<semaphore_mem>>) src(%arg8 : memref<128x128xf32, #tpu.memory_space<vmem>>) dst(%dma_wait3A_105 : memref<128x128xf32, #tpu.memory_space<hbm>>)
      %dma_wait3A_106 = arith.constant 0 : i32
      %dma_wait3A_107 = tpu.memref_slice %arg4[%add3A_89, %dma_wait3A_106] : memref<65536x128xf32, #tpu.memory_space<hbm>> -> memref<128x128xf32, #tpu.memory_space<hbm>>
      %dma_wait3A_108 = arith.constant 0 : i32
      %dma_wait3A_109 = tpu.memref_slice %arg4[%add3A_89, %dma_wait3A_108] : memref<65536x128xf32, #tpu.memory_space<hbm>> -> memref<128x128xf32, #tpu.memory_space<hbm>>
      tpu.wait_dma2 semaphore(%arg17 : memref<!tpu.dma_semaphore, #tpu.memory_space<semaphore_mem>>) src(%arg9 : memref<128x128xf32, #tpu.memory_space<vmem>>) dst(%dma_wait3A_109 : memref<128x128xf32, #tpu.memory_space<hbm>>)
    }
    %scan3A_6 = arith.constant 4 : i32
    return
  }
}

module attributes {stable_mosaic.version = 14 : i64} {
  func.func @_transpose_body(%arg0: i32, %arg1: memref<1x96x32x256xf32, #tpu.memory_space<vmem>>, %arg2: memref<96x128xf32, #tpu.memory_space<vmem>>, %arg3: memref<8192x128xf32, #tpu.memory_space<vmem>>) attributes {dimension_semantics = [#tpu.dimension_semantics<arbitrary>], iteration_bounds = array<i64: 8>, scalar_prefetch = 0 : i64, scratch_operands = 0 : i64, tpu.core_type = #tpu.core_type<tc>, window_params = [{transform_indices = @transform_0, window_bounds = array<i64: 1, 96, 32, 256>}, {pipeline_mode = #tpu.pipeline_mode<synchronous>, transform_indices = @transform_1, window_bounds = array<i64: 96, 128>}, {transform_indices = @transform_2, window_bounds = array<i64: 8192, 128>}]} {
    %get3A = arith.constant 0 : index
    %get3A_0 = arith.constant 0 : index
    %get3A_1 = arith.constant 0 : index
    %get3A_2 = arith.constant 0 : index
    %get3A_3 = vector.load %arg1[%get3A, %get3A_0, %get3A_1, %get3A_2] : memref<1x96x32x256xf32, #tpu.memory_space<vmem>>, vector<1x96x32x256xf32>
    %get3A_4 = vector.shape_cast %get3A_3 : vector<1x96x32x256xf32> to vector<96x32x256xf32>
    %reshape3A = vector.shape_cast %get3A_4 : vector<96x32x256xf32> to vector<96x8192xf32>
    %get3A_5 = arith.constant 0 : index
    %get3A_6 = arith.constant 0 : index
    %get3A_7 = vector.load %arg2[%get3A_5, %get3A_6] : memref<96x128xf32, #tpu.memory_space<vmem>>, vector<96x128xf32>
    %dot_general3A = arith.constant dense<0.000000e+00> : vector<8192x128xf32>
    %dot_general3A_8 = tpu.matmul %reshape3A, %get3A_7, %dot_general3A {dimension_numbers = #tpu.dot_dimension_numbers<[0], [0], [1], [1], [0, 1, 1, 1], [], []>, transpose_lhs_hint = false} : vector<96x8192xf32>, vector<96x128xf32>, vector<8192x128xf32> -> vector<8192x128xf32>
    %swap3A = arith.constant 0 : index
    %swap3A_9 = arith.constant 0 : index
    %swap3A_10 = vector.load %arg3[%swap3A, %swap3A_9] : memref<8192x128xf32, #tpu.memory_space<vmem>>, vector<8192x128xf32>
    tpu.vector_store %arg3[%swap3A, %swap3A_9], %dot_general3A_8 {strides = array<i32>} : memref<8192x128xf32, #tpu.memory_space<vmem>>, vector<8192x128xf32>,
    return
  }
  func.func @transform_0(%arg0: i32) -> (i32, i32, i32, i32) {
    %c2_i32 = arith.constant 2 : i32
    %c0_i32 = arith.constant 0 : i32
    %c0_i32_0 = arith.constant 0 : i32
    %c0_i32_1 = arith.constant 0 : i32
    return %c2_i32, %c0_i32, %arg0, %c0_i32_0 : i32, i32, i32, i32
  }
  func.func @transform_1(%arg0: i32) -> (i32, i32) {
    %c0_i32 = arith.constant 0 : i32
    %c0_i32_0 = arith.constant 0 : i32
    %c0_i32_1 = arith.constant 0 : i32
    return %c0_i32, %c0_i32_0 : i32, i32
  }
  func.func @transform_2(%arg0: i32) -> (i32, i32) {
    %c0_i32 = arith.constant 0 : i32
    %c0_i32_0 = arith.constant 0 : i32
    return %arg0, %c0_i32 : i32, i32
  }
}

module attributes {stable_mosaic.version = 14 : i64} {
  func.func @_transpose_body(%arg0: i32, %arg1: memref<1x96x32x256xf32, #tpu.memory_space<vmem>>, %arg2: memref<96x128xf32, #tpu.memory_space<vmem>>, %arg3: memref<8192x128xf32, #tpu.memory_space<vmem>>) attributes {dimension_semantics = [#tpu.dimension_semantics<arbitrary>], iteration_bounds = array<i64: 8>, scalar_prefetch = 0 : i64, scratch_operands = 0 : i64, tpu.core_type = #tpu.core_type<tc>, window_params = [{transform_indices = @transform_0, window_bounds = array<i64: 1, 96, 32, 256>}, {pipeline_mode = #tpu.pipeline_mode<synchronous>, transform_indices = @transform_1, window_bounds = array<i64: 96, 128>}, {transform_indices = @transform_2, window_bounds = array<i64: 8192, 128>}]} {
    %get3A = arith.constant 0 : index
    %get3A_0 = arith.constant 0 : index
    %get3A_1 = arith.constant 0 : index
    %get3A_2 = arith.constant 0 : index
    %get3A_3 = vector.load %arg1[%get3A, %get3A_0, %get3A_1, %get3A_2] : memref<1x96x32x256xf32, #tpu.memory_space<vmem>>, vector<1x96x32x256xf32>
    %get3A_4 = vector.shape_cast %get3A_3 : vector<1x96x32x256xf32> to vector<96x32x256xf32>
    %reshape3A = vector.shape_cast %get3A_4 : vector<96x32x256xf32> to vector<96x8192xf32>
    %get3A_5 = arith.constant 0 : index
    %get3A_6 = arith.constant 0 : index
    %get3A_7 = vector.load %arg2[%get3A_5, %get3A_6] : memref<96x128xf32, #tpu.memory_space<vmem>>, vector<96x128xf32>
    %dot_general3A = arith.constant dense<0.000000e+00> : vector<8192x128xf32>
    %dot_general3A_8 = tpu.matmul %reshape3A, %get3A_7, %dot_general3A {dimension_numbers = #tpu.dot_dimension_numbers<[0], [0], [1], [1], [0, 1, 1, 1], [], []>, transpose_lhs_hint = false} : vector<96x8192xf32>, vector<96x128xf32>, vector<8192x128xf32> -> vector<8192x128xf32>
    %swap3A = arith.constant 0 : index
    %swap3A_9 = arith.constant 0 : index
    %swap3A_10 = vector.load %arg3[%swap3A, %swap3A_9] : memref<8192x128xf32, #tpu.memory_space<vmem>>, vector<8192x128xf32>
    tpu.vector_store %arg3[%swap3A, %swap3A_9], %dot_general3A_8 {strides = array<i32>} : memref<8192x128xf32, #tpu.memory_space<vmem>>, vector<8192x128xf32>,
    return
  }
  func.func @transform_0(%arg0: i32) -> (i32, i32, i32, i32) {
    %c0_i32 = arith.constant 0 : i32
    %c0_i32_0 = arith.constant 0 : i32
    %c0_i32_1 = arith.constant 0 : i32
    %c0_i32_2 = arith.constant 0 : i32
    return %c0_i32, %c0_i32_0, %arg0, %c0_i32_1 : i32, i32, i32, i32
  }
  func.func @transform_1(%arg0: i32) -> (i32, i32) {
    %c0_i32 = arith.constant 0 : i32
    %c0_i32_0 = arith.constant 0 : i32
    %c0_i32_1 = arith.constant 0 : i32
    return %c0_i32, %c0_i32_0 : i32, i32
  }
  func.func @transform_2(%arg0: i32) -> (i32, i32) {
    %c0_i32 = arith.constant 0 : i32
    %c0_i32_0 = arith.constant 0 : i32
    return %arg0, %c0_i32 : i32, i32
  }
}

module attributes {stable_mosaic.version = 14 : i64} {
  func.func @_transpose_body(%arg0: i32, %arg1: memref<1x96x32x256xf32, #tpu.memory_space<vmem>>, %arg2: memref<96x128xf32, #tpu.memory_space<vmem>>, %arg3: memref<8192x128xf32, #tpu.memory_space<vmem>>) attributes {dimension_semantics = [#tpu.dimension_semantics<arbitrary>], iteration_bounds = array<i64: 8>, scalar_prefetch = 0 : i64, scratch_operands = 0 : i64, tpu.core_type = #tpu.core_type<tc>, window_params = [{transform_indices = @transform_0, window_bounds = array<i64: 1, 96, 32, 256>}, {pipeline_mode = #tpu.pipeline_mode<synchronous>, transform_indices = @transform_1, window_bounds = array<i64: 96, 128>}, {transform_indices = @transform_2, window_bounds = array<i64: 8192, 128>}]} {
    %get3A = arith.constant 0 : index
    %get3A_0 = arith.constant 0 : index
    %get3A_1 = arith.constant 0 : index
    %get3A_2 = arith.constant 0 : index
    %get3A_3 = vector.load %arg1[%get3A, %get3A_0, %get3A_1, %get3A_2] : memref<1x96x32x256xf32, #tpu.memory_space<vmem>>, vector<1x96x32x256xf32>
    %get3A_4 = vector.shape_cast %get3A_3 : vector<1x96x32x256xf32> to vector<96x32x256xf32>
    %reshape3A = vector.shape_cast %get3A_4 : vector<96x32x256xf32> to vector<96x8192xf32>
    %get3A_5 = arith.constant 0 : index
    %get3A_6 = arith.constant 0 : index
    %get3A_7 = vector.load %arg2[%get3A_5, %get3A_6] : memref<96x128xf32, #tpu.memory_space<vmem>>, vector<96x128xf32>
    %dot_general3A = arith.constant dense<0.000000e+00> : vector<8192x128xf32>
    %dot_general3A_8 = tpu.matmul %reshape3A, %get3A_7, %dot_general3A {dimension_numbers = #tpu.dot_dimension_numbers<[0], [0], [1], [1], [0, 1, 1, 1], [], []>, transpose_lhs_hint = false} : vector<96x8192xf32>, vector<96x128xf32>, vector<8192x128xf32> -> vector<8192x128xf32>
    %swap3A = arith.constant 0 : index
    %swap3A_9 = arith.constant 0 : index
    %swap3A_10 = vector.load %arg3[%swap3A, %swap3A_9] : memref<8192x128xf32, #tpu.memory_space<vmem>>, vector<8192x128xf32>
    tpu.vector_store %arg3[%swap3A, %swap3A_9], %dot_general3A_8 {strides = array<i32>} : memref<8192x128xf32, #tpu.memory_space<vmem>>, vector<8192x128xf32>,
    return
  }
  func.func @transform_0(%arg0: i32) -> (i32, i32, i32, i32) {
    %c1_i32 = arith.constant 1 : i32
    %c0_i32 = arith.constant 0 : i32
    %c0_i32_0 = arith.constant 0 : i32
    %c0_i32_1 = arith.constant 0 : i32
    return %c1_i32, %c0_i32, %arg0, %c0_i32_0 : i32, i32, i32, i32
  }
  func.func @transform_1(%arg0: i32) -> (i32, i32) {
    %c0_i32 = arith.constant 0 : i32
    %c0_i32_0 = arith.constant 0 : i32
    %c0_i32_1 = arith.constant 0 : i32
    return %c0_i32, %c0_i32_0 : i32, i32
  }
  func.func @transform_2(%arg0: i32) -> (i32, i32) {
    %c0_i32 = arith.constant 0 : i32
    %c0_i32_0 = arith.constant 0 : i32
    return %arg0, %c0_i32 : i32, i32
  }
}

module attributes {stable_mosaic.version = 14 : i64} {
  func.func @_transpose_body(%arg0: i32, %arg1: memref<1x96x32x256xf32, #tpu.memory_space<vmem>>, %arg2: memref<96x128xf32, #tpu.memory_space<vmem>>, %arg3: memref<8192x128xf32, #tpu.memory_space<vmem>>) attributes {dimension_semantics = [#tpu.dimension_semantics<arbitrary>], iteration_bounds = array<i64: 8>, scalar_prefetch = 0 : i64, scratch_operands = 0 : i64, tpu.core_type = #tpu.core_type<tc>, window_params = [{transform_indices = @transform_0, window_bounds = array<i64: 1, 96, 32, 256>}, {pipeline_mode = #tpu.pipeline_mode<synchronous>, transform_indices = @transform_1, window_bounds = array<i64: 96, 128>}, {transform_indices = @transform_2, window_bounds = array<i64: 8192, 128>}]} {
    %get3A = arith.constant 0 : index
    %get3A_0 = arith.constant 0 : index
    %get3A_1 = arith.constant 0 : index
    %get3A_2 = arith.constant 0 : index
    %get3A_3 = vector.load %arg1[%get3A, %get3A_0, %get3A_1, %get3A_2] : memref<1x96x32x256xf32, #tpu.memory_space<vmem>>, vector<1x96x32x256xf32>
    %get3A_4 = vector.shape_cast %get3A_3 : vector<1x96x32x256xf32> to vector<96x32x256xf32>
    %reshape3A = vector.shape_cast %get3A_4 : vector<96x32x256xf32> to vector<96x8192xf32>
    %get3A_5 = arith.constant 0 : index
    %get3A_6 = arith.constant 0 : index
    %get3A_7 = vector.load %arg2[%get3A_5, %get3A_6] : memref<96x128xf32, #tpu.memory_space<vmem>>, vector<96x128xf32>
    %dot_general3A = arith.constant dense<0.000000e+00> : vector<8192x128xf32>
    %dot_general3A_8 = tpu.matmul %reshape3A, %get3A_7, %dot_general3A {dimension_numbers = #tpu.dot_dimension_numbers<[0], [0], [1], [1], [0, 1, 1, 1], [], []>, transpose_lhs_hint = false} : vector<96x8192xf32>, vector<96x128xf32>, vector<8192x128xf32> -> vector<8192x128xf32>
    %swap3A = arith.constant 0 : index
    %swap3A_9 = arith.constant 0 : index
    %swap3A_10 = vector.load %arg3[%swap3A, %swap3A_9] : memref<8192x128xf32, #tpu.memory_space<vmem>>, vector<8192x128xf32>
    tpu.vector_store %arg3[%swap3A, %swap3A_9], %dot_general3A_8 {strides = array<i32>} : memref<8192x128xf32, #tpu.memory_space<vmem>>, vector<8192x128xf32>,
    return
  }
  func.func @transform_0(%arg0: i32) -> (i32, i32, i32, i32) {
    %c3_i32 = arith.constant 3 : i32
    %c0_i32 = arith.constant 0 : i32
    %c0_i32_0 = arith.constant 0 : i32
    %c0_i32_1 = arith.constant 0 : i32
    return %c3_i32, %c0_i32, %arg0, %c0_i32_0 : i32, i32, i32, i32
  }
  func.func @transform_1(%arg0: i32) -> (i32, i32) {
    %c0_i32 = arith.constant 0 : i32
    %c0_i32_0 = arith.constant 0 : i32
    %c0_i32_1 = arith.constant 0 : i32
    return %c0_i32, %c0_i32_0 : i32, i32
  }
  func.func @transform_2(%arg0: i32) -> (i32, i32) {
    %c0_i32 = arith.constant 0 : i32
    %c0_i32_0 = arith.constant 0 : i32
    return %arg0, %c0_i32 : i32, i32
  }
}

module attributes {stable_mosaic.version = 14 : i64} {
  func.func @_untranspose_body(%arg0: i32, %arg1: memref<8192x128xf32, #tpu.memory_space<vmem>>, %arg2: memref<96x128xf32, #tpu.memory_space<vmem>>, %arg3: memref<1x96x8192xf32, #tpu.memory_space<vmem>>) attributes {dimension_semantics = [#tpu.dimension_semantics<arbitrary>], iteration_bounds = array<i64: 8>, scalar_prefetch = 0 : i64, scratch_operands = 0 : i64, tpu.core_type = #tpu.core_type<tc>, window_params = [{transform_indices = @transform_0, window_bounds = array<i64: 8192, 128>}, {pipeline_mode = #tpu.pipeline_mode<synchronous>, transform_indices = @transform_1, window_bounds = array<i64: 96, 128>}, {transform_indices = @transform_2, window_bounds = array<i64: 1, 96, 8192>}]} {
    %get3A = arith.constant 0 : index
    %get3A_0 = arith.constant 0 : index
    %get3A_1 = vector.load %arg2[%get3A, %get3A_0] : memref<96x128xf32, #tpu.memory_space<vmem>>, vector<96x128xf32>
    %get3A_2 = arith.constant 0 : index
    %get3A_3 = arith.constant 0 : index
    %get3A_4 = vector.load %arg1[%get3A_2, %get3A_3] : memref<8192x128xf32, #tpu.memory_space<vmem>>, vector<8192x128xf32>
    %dot_general3A = arith.constant dense<0.000000e+00> : vector<96x8192xf32>
    %dot_general3A_5 = tpu.matmul %get3A_1, %get3A_4, %dot_general3A {dimension_numbers = #tpu.dot_dimension_numbers<[1], [1], [0], [0], [0, 0, 1, 0], [], []>, transpose_lhs_hint = false} : vector<96x128xf32>, vector<8192x128xf32>, vector<96x8192xf32> -> vector<96x8192xf32>
    %swap3A = arith.constant 0 : index
    %swap3A_6 = arith.constant 0 : index
    %swap3A_7 = arith.constant 0 : index
    %swap3A_8 = vector.load %arg3[%swap3A, %swap3A_6, %swap3A_7] : memref<1x96x8192xf32, #tpu.memory_space<vmem>>, vector<1x96x8192xf32>
    %swap3A_9 = vector.shape_cast %swap3A_8 : vector<1x96x8192xf32> to vector<96x8192xf32>
    %swap3A_10 = vector.shape_cast %dot_general3A_5 : vector<96x8192xf32> to vector<1x96x8192xf32>
    tpu.vector_store %arg3[%swap3A, %swap3A_6, %swap3A_7], %swap3A_10 {strides = array<i32>} : memref<1x96x8192xf32, #tpu.memory_space<vmem>>, vector<1x96x8192xf32>,
    return
  }
  func.func @transform_0(%arg0: i32) -> (i32, i32) {
    %c0_i32 = arith.constant 0 : i32
    %c0_i32_0 = arith.constant 0 : i32
    return %arg0, %c0_i32 : i32, i32
  }
  func.func @transform_1(%arg0: i32) -> (i32, i32) {
    %c0_i32 = arith.constant 0 : i32
    %c0_i32_0 = arith.constant 0 : i32
    %c0_i32_1 = arith.constant 0 : i32
    return %c0_i32, %c0_i32_0 : i32, i32
  }
  func.func @transform_2(%arg0: i32) -> (i32, i32, i32) {
    %c0_i32 = arith.constant 0 : i32
    %c0_i32_0 = arith.constant 0 : i32
    %c0_i32_1 = arith.constant 0 : i32
    return %c0_i32, %c0_i32_0, %arg0 : i32, i32, i32
  }
}

module attributes {stable_mosaic.version = 14 : i64} {
  func.func @_untranspose_alias_body(%arg0: i32, %arg1: memref<8192x128xf32, #tpu.memory_space<vmem>>, %arg2: memref<96x128xf32, #tpu.memory_space<vmem>>, %arg3: memref<4x96x65536xf32, #tpu.memory_space<any>>, %arg4: memref<1x96x8192xf32, #tpu.memory_space<vmem>>) attributes {dimension_semantics = [#tpu.dimension_semantics<arbitrary>], iteration_bounds = array<i64: 8>, scalar_prefetch = 0 : i64, scratch_operands = 0 : i64, tpu.core_type = #tpu.core_type<tc>, window_params = [{transform_indices = @transform_0, window_bounds = array<i64: 8192, 128>}, {pipeline_mode = #tpu.pipeline_mode<synchronous>, transform_indices = @transform_1, window_bounds = array<i64: 96, 128>}, {}, {transform_indices = @transform_3, window_bounds = array<i64: 1, 96, 8192>}]} {
    %get3A = arith.constant 0 : index
    %get3A_0 = arith.constant 0 : index
    %get3A_1 = vector.load %arg2[%get3A, %get3A_0] : memref<96x128xf32, #tpu.memory_space<vmem>>, vector<96x128xf32>
    %get3A_2 = arith.constant 0 : index
    %get3A_3 = arith.constant 0 : index
    %get3A_4 = vector.load %arg1[%get3A_2, %get3A_3] : memref<8192x128xf32, #tpu.memory_space<vmem>>, vector<8192x128xf32>
    %dot_general3A = arith.constant dense<0.000000e+00> : vector<96x8192xf32>
    %dot_general3A_5 = tpu.matmul %get3A_1, %get3A_4, %dot_general3A {dimension_numbers = #tpu.dot_dimension_numbers<[1], [1], [0], [0], [0, 0, 1, 0], [], []>, transpose_lhs_hint = false} : vector<96x128xf32>, vector<8192x128xf32>, vector<96x8192xf32> -> vector<96x8192xf32>
    %swap3A = arith.constant 0 : index
    %swap3A_6 = arith.constant 0 : index
    %swap3A_7 = arith.constant 0 : index
    %swap3A_8 = vector.load %arg4[%swap3A, %swap3A_6, %swap3A_7] : memref<1x96x8192xf32, #tpu.memory_space<vmem>>, vector<1x96x8192xf32>
    %swap3A_9 = vector.shape_cast %swap3A_8 : vector<1x96x8192xf32> to vector<96x8192xf32>
    %swap3A_10 = vector.shape_cast %dot_general3A_5 : vector<96x8192xf32> to vector<1x96x8192xf32>
    tpu.vector_store %arg4[%swap3A, %swap3A_6, %swap3A_7], %swap3A_10 {strides = array<i32>} : memref<1x96x8192xf32, #tpu.memory_space<vmem>>, vector<1x96x8192xf32>,
    return
  }
  func.func @transform_0(%arg0: i32) -> (i32, i32) {
    %c0_i32 = arith.constant 0 : i32
    %c0_i32_0 = arith.constant 0 : i32
    return %arg0, %c0_i32 : i32, i32
  }
  func.func @transform_1(%arg0: i32) -> (i32, i32) {
    %c0_i32 = arith.constant 0 : i32
    %c0_i32_0 = arith.constant 0 : i32
    %c0_i32_1 = arith.constant 0 : i32
    return %c0_i32, %c0_i32_0 : i32, i32
  }
  func.func @transform_3(%arg0: i32) -> (i32, i32, i32) {
    %c1_i32 = arith.constant 1 : i32
    %c0_i32 = arith.constant 0 : i32
    %c0_i32_0 = arith.constant 0 : i32
    return %c1_i32, %c0_i32, %arg0 : i32, i32, i32
  }
}

module attributes {stable_mosaic.version = 14 : i64} {
  func.func @_untranspose_alias_body(%arg0: i32, %arg1: memref<8192x128xf32, #tpu.memory_space<vmem>>, %arg2: memref<96x128xf32, #tpu.memory_space<vmem>>, %arg3: memref<4x96x65536xf32, #tpu.memory_space<any>>, %arg4: memref<1x96x8192xf32, #tpu.memory_space<vmem>>) attributes {dimension_semantics = [#tpu.dimension_semantics<arbitrary>], iteration_bounds = array<i64: 8>, scalar_prefetch = 0 : i64, scratch_operands = 0 : i64, tpu.core_type = #tpu.core_type<tc>, window_params = [{transform_indices = @transform_0, window_bounds = array<i64: 8192, 128>}, {pipeline_mode = #tpu.pipeline_mode<synchronous>, transform_indices = @transform_1, window_bounds = array<i64: 96, 128>}, {}, {transform_indices = @transform_3, window_bounds = array<i64: 1, 96, 8192>}]} {
    %get3A = arith.constant 0 : index
    %get3A_0 = arith.constant 0 : index
    %get3A_1 = vector.load %arg2[%get3A, %get3A_0] : memref<96x128xf32, #tpu.memory_space<vmem>>, vector<96x128xf32>
    %get3A_2 = arith.constant 0 : index
    %get3A_3 = arith.constant 0 : index
    %get3A_4 = vector.load %arg1[%get3A_2, %get3A_3] : memref<8192x128xf32, #tpu.memory_space<vmem>>, vector<8192x128xf32>
    %dot_general3A = arith.constant dense<0.000000e+00> : vector<96x8192xf32>
    %dot_general3A_5 = tpu.matmul %get3A_1, %get3A_4, %dot_general3A {dimension_numbers = #tpu.dot_dimension_numbers<[1], [1], [0], [0], [0, 0, 1, 0], [], []>, transpose_lhs_hint = false} : vector<96x128xf32>, vector<8192x128xf32>, vector<96x8192xf32> -> vector<96x8192xf32>
    %swap3A = arith.constant 0 : index
    %swap3A_6 = arith.constant 0 : index
    %swap3A_7 = arith.constant 0 : index
    %swap3A_8 = vector.load %arg4[%swap3A, %swap3A_6, %swap3A_7] : memref<1x96x8192xf32, #tpu.memory_space<vmem>>, vector<1x96x8192xf32>
    %swap3A_9 = vector.shape_cast %swap3A_8 : vector<1x96x8192xf32> to vector<96x8192xf32>
    %swap3A_10 = vector.shape_cast %dot_general3A_5 : vector<96x8192xf32> to vector<1x96x8192xf32>
    tpu.vector_store %arg4[%swap3A, %swap3A_6, %swap3A_7], %swap3A_10 {strides = array<i32>} : memref<1x96x8192xf32, #tpu.memory_space<vmem>>, vector<1x96x8192xf32>,
    return
  }
  func.func @transform_0(%arg0: i32) -> (i32, i32) {
    %c0_i32 = arith.constant 0 : i32
    %c0_i32_0 = arith.constant 0 : i32
    return %arg0, %c0_i32 : i32, i32
  }
  func.func @transform_1(%arg0: i32) -> (i32, i32) {
    %c0_i32 = arith.constant 0 : i32
    %c0_i32_0 = arith.constant 0 : i32
    %c0_i32_1 = arith.constant 0 : i32
    return %c0_i32, %c0_i32_0 : i32, i32
  }
  func.func @transform_3(%arg0: i32) -> (i32, i32, i32) {
    %c2_i32 = arith.constant 2 : i32
    %c0_i32 = arith.constant 0 : i32
    %c0_i32_0 = arith.constant 0 : i32
    return %c2_i32, %c0_i32, %arg0 : i32, i32, i32
  }
}

module attributes {stable_mosaic.version = 14 : i64} {
  func.func @_untranspose_alias_body(%arg0: i32, %arg1: memref<8192x128xf32, #tpu.memory_space<vmem>>, %arg2: memref<96x128xf32, #tpu.memory_space<vmem>>, %arg3: memref<4x96x65536xf32, #tpu.memory_space<any>>, %arg4: memref<1x96x8192xf32, #tpu.memory_space<vmem>>) attributes {dimension_semantics = [#tpu.dimension_semantics<arbitrary>], iteration_bounds = array<i64: 8>, scalar_prefetch = 0 : i64, scratch_operands = 0 : i64, tpu.core_type = #tpu.core_type<tc>, window_params = [{transform_indices = @transform_0, window_bounds = array<i64: 8192, 128>}, {pipeline_mode = #tpu.pipeline_mode<synchronous>, transform_indices = @transform_1, window_bounds = array<i64: 96, 128>}, {}, {transform_indices = @transform_3, window_bounds = array<i64: 1, 96, 8192>}]} {
    %get3A = arith.constant 0 : index
    %get3A_0 = arith.constant 0 : index
    %get3A_1 = vector.load %arg2[%get3A, %get3A_0] : memref<96x128xf32, #tpu.memory_space<vmem>>, vector<96x128xf32>
    %get3A_2 = arith.constant 0 : index
    %get3A_3 = arith.constant 0 : index
    %get3A_4 = vector.load %arg1[%get3A_2, %get3A_3] : memref<8192x128xf32, #tpu.memory_space<vmem>>, vector<8192x128xf32>
    %dot_general3A = arith.constant dense<0.000000e+00> : vector<96x8192xf32>
    %dot_general3A_5 = tpu.matmul %get3A_1, %get3A_4, %dot_general3A {dimension_numbers = #tpu.dot_dimension_numbers<[1], [1], [0], [0], [0, 0, 1, 0], [], []>, transpose_lhs_hint = false} : vector<96x128xf32>, vector<8192x128xf32>, vector<96x8192xf32> -> vector<96x8192xf32>
    %swap3A = arith.constant 0 : index
    %swap3A_6 = arith.constant 0 : index
    %swap3A_7 = arith.constant 0 : index
    %swap3A_8 = vector.load %arg4[%swap3A, %swap3A_6, %swap3A_7] : memref<1x96x8192xf32, #tpu.memory_space<vmem>>, vector<1x96x8192xf32>
    %swap3A_9 = vector.shape_cast %swap3A_8 : vector<1x96x8192xf32> to vector<96x8192xf32>
    %swap3A_10 = vector.shape_cast %dot_general3A_5 : vector<96x8192xf32> to vector<1x96x8192xf32>
    tpu.vector_store %arg4[%swap3A, %swap3A_6, %swap3A_7], %swap3A_10 {strides = array<i32>} : memref<1x96x8192xf32, #tpu.memory_space<vmem>>, vector<1x96x8192xf32>,
    return
  }
  func.func @transform_0(%arg0: i32) -> (i32, i32) {
    %c0_i32 = arith.constant 0 : i32
    %c0_i32_0 = arith.constant 0 : i32
    return %arg0, %c0_i32 : i32, i32
  }
  func.func @transform_1(%arg0: i32) -> (i32, i32) {
    %c0_i32 = arith.constant 0 : i32
    %c0_i32_0 = arith.constant 0 : i32
    %c0_i32_1 = arith.constant 0 : i32
    return %c0_i32, %c0_i32_0 : i32, i32
  }
  func.func @transform_3(%arg0: i32) -> (i32, i32, i32) {
    %c3_i32 = arith.constant 3 : i32
    %c0_i32 = arith.constant 0 : i32
    %c0_i32_0 = arith.constant 0 : i32
    return %c3_i32, %c0_i32, %arg0 : i32, i32, i32
  }
}

</mosaic_0001>

<sc_bundles>
// kernel: kernel.14.cloned.1.call-start
scs
__scs_entry_jumppad:
0x0: {  	(pc) =	sbr.rel $0x88, $3  }
0x1: {  	(tag) =	ssettag $0x0;
	lr =	simm.s32 $0x1  }
0x2: {  	[smem:$0x3FA0] =	sst lr;
	_ =	strace $0xD0000000  }
0x3: {  	_ = 	snop  }
0x4: {  	_ = 	snop  }
0x5: {  	_ = 	snop  }
0x6: {  	_ = 	snop  }
0x7: {  	_ = 	snop  }
__scs_overlays_trampoline_lowered:
0x8: {  	[smem:$0x3FAF] =	sst s0  }
0x9: {  	[smem:$0x3FB0] =	sst s1  }
0xa: {  	[smem:$0x3FB1] =	sst s2  }
0xb: {  	[smem:$0x3FB2] =	sst s3  }
0xc: {  	[smem:$0x3FB3] =	sst s4  }
0xd: {  	[smem:$0x3FB4] =	sst s5  }
0xe: {  	[smem:$0x3FB5] =	sst s6  }
0xf: {  	[smem:$0x3FB6] =	sst s7  }
0x10: {  	[smem:$0x3FB7] =	sst s8  }
0x11: {  	[smem:$0x3FB8] =	sst s9;
	s0 =	simm.s32 @!p0 $0x0  }
0x12: {  	s1 =	sld [smem:$0x3F9E];
	s0 =	simm.s32 @p0 $0x1  }
0x13: {  	[smem:$0x3FB9] =	sst s0;
	s0 =	simm.s32 @!p1 $0x0  }
0x14: {  	s2 =	sld [smem:$0x3F9D];
	s0 =	simm.s32 @p1 $0x1  }
0x15: {  	[smem:$0x3FBA] =	sst s0;
	s0 =	simm.s32 @!p2 $0x0  }
0x16: {  	s3 =	sld [smem:$0x3FDB];
	s0 =	simm.s32 @p2 $0x1  }
0x17: {  	s4 =	simm.s32 $0x1BF5;
	[smem:$0x3FBC] =	sst s0  }
0x18: {  	s0 =	sld [smem:$0x3F9F];
	_ =	swait.ge [sflag:s4], $0x0  }
0x19: {  	s7 =	sld [smem:$0x3FA0]  }
0x1a: {  	s8 =	sadd.s32 $0xFFFFE003, lr  }
0x1b: {  	s9 =	sadd.s32 $0xFFFFFEF7, lr;
	s5 =	simm.s32 $0xFFFFFFFF;
	p2 =	slt.u32 s8, $0xFFFFF086  }
0x1c: {  	p1 =	slt.u32 s9, $0xF7A;
	s5 =	simm.s32 @!p2 $0x0  }
0x1d: {  	s5 =	simm.s32 @p1 $0x1;
	p0 =	seq.s32 s7, s2  }
0x1e: {  	s7 =	smul.u32 @!p0 $0xF7A, s2;
	p2 =	seq.s32 @!p0 s5, $0x0  }
0x1f: {  	s9 =	smul.u32 $0xF7A, s1;
	s8 =	simm.s32 @!p0 $0x1BF5;
	p2 =	por !p2, p0  }
0x20: {  	[sflag:s8] =	ssyncset.s32 @!p0 $0xFFFFF086;
	s6 =	sadd.s32 @!p0 s3, s7;
	s7 =	simm.s32 @!p0 $0x108  }
0x21: {  	s3 =	sadd.s32 s3, s9;
	s6 =	sadd.s32 @!p0 $0x88, s6;
	s7 =	simm.s32 @p2 $0x1082  }
0x22: {  	[simem:s7], [sflag:s8] =	dma.local @!p0 [hbm:s6], $0xF7A  }
0x23: {  	s9 =	sor.u32 $0xD0000000, s2;
	s6 =	simm.s32 $0x108;
	_ =	swait.ge @!p0 [sflag:s8], $0x0  }
0x24: {  	s3 =	sadd.s32 $0x88, s3;
	s6 =	simm.s32 @!p1 $0x1082;
	[sflag:s4] =	ssyncset.s32 $0xFFFFF086  }
0x25: {  	[simem:s6], [sflag:s4] =	dma.local [hbm:s3], $0xF7A  }
0x26: {  	[smem:$0x3FA0] =	sst s1;
	(tag) =	ssettag s2;
	_ =	strace s9  }
0x27: {  	s1 =	sld [smem:$0x3FB0]  }
0x28: {  	s2 =	sld [smem:$0x3FB1]  }
0x29: {  	s4 =	sld [smem:$0x3FB3]  }
0x2a: {  	p0 =	seq.s32 s5, $0x0;
	s5 =	sld [smem:$0x3FB4]  }
0x2b: {  	s6 =	sld [smem:$0x3FB5]  }
0x2c: {  	s7 =	sld [smem:$0x3FB6]  }
0x2d: {  	s3 =	simm.s32 $0x108;
	s8 =	sld [smem:$0x3FB7]  }
0x2e: {  	s3 =	simm.s32 @!p0 $0x1082;
	s9 =	sld [smem:$0x3FB8]  }
0x2f: {  	lr =	sadd.s32 s0, s3;
	s0 =	sld [smem:$0x3FAF]  }
0x30: {  	s3 =	sld [smem:$0x3FB2]  }
0x31: {  	[smem:$0x3FBB] =	sst s10  }
0x32: {  	s10 =	sld [smem:$0x3FB9];
	_ =	sdelay $0x3  }
0x33: {  	p0 =	seq.s32 s10, $0x1;
	s10 =	sld [smem:$0x3FBB];
	_ =	sdelay $0x3  }
0x34: {  	[smem:$0x3FBB] =	sst s10  }
0x35: {  	s10 =	sld [smem:$0x3FBA];
	_ =	sdelay $0x3  }
0x36: {  	p1 =	seq.s32 s10, $0x1;
	s10 =	sld [smem:$0x3FBB];
	_ =	sdelay $0x3  }
0x37: {  	[smem:$0x3FBB] =	sst s10  }
0x38: {  	s10 =	sld [smem:$0x3FBC]  }
0x39: {  	_ = 	snop;
	(pc) =	sbr.ind lr, $3  }
0x3a: {  	_ = 	snop  }
0x3b: {  	_ = 	snop  }
0x3c: {  	p2 =	seq.s32 s10, $0x1;
	s10 =	sld [smem:$0x3FBB]  }
0x3d: {  	_ =	shalt  }
0x3e: {  	_ =	shalt  }
0x3f: {  	_ =	shalt  }
0x40: {  	_ =	shalt  }
0x41: {  	_ =	shalt  }
0x42: {  	_ =	shalt  }
0x43: {  	_ =	shalt  }
0x44: {  	_ =	shalt  }
0x45: {  	_ =	shalt  }
0x46: {  	_ =	shalt  }
0x47: {  	_ =	shalt  }
0x48: {  	_ =	shalt  }
0x49: {  	_ =	shalt  }
0x4a: {  	_ =	shalt  }
0x4b: {  	_ =	shalt  }
0x4c: {  	_ =	shalt  }
0x4d: {  	_ =	shalt  }
0x4e: {  	_ =	shalt  }
0x4f: {  	_ =	shalt  }
0x50: {  	_ =	shalt  }
0x51: {  	_ =	shalt  }
0x52: {  	_ =	shalt  }
0x53: {  	_ =	shalt  }
0x54: {  	_ =	shalt  }
0x55: {  	_ =	shalt  }
0x56: {  	_ =	shalt  }
0x57: {  	_ =	shalt  }
0x58: {  	_ =	shalt  }
0x59: {  	_ =	shalt  }
0x5a: {  	_ =	shalt  }
0x5b: {  	_ =	shalt  }
0x5c: {  	_ =	shalt  }
0x5d: {  	_ =	shalt  }
0x5e: {  	_ =	shalt  }
0x5f: {  	_ =	shalt  }
0x60: {  	_ =	shalt  }
0x61: {  	_ =	shalt  }
0x62: {  	_ =	shalt  }
0x63: {  	_ =	shalt  }
0x64: {  	_ =	shalt  }
0x65: {  	_ =	shalt  }
0x66: {  	_ =	shalt  }
0x67: {  	_ =	shalt  }
0x68: {  	_ =	shalt  }
0x69: {  	_ =	shalt  }
0x6a: {  	_ =	shalt  }
0x6b: {  	_ =	shalt  }
0x6c: {  	_ =	shalt  }
0x6d: {  	_ =	shalt  }
0x6e: {  	_ =	shalt  }
0x6f: {  	_ =	shalt  }
0x70: {  	_ =	shalt  }
0x71: {  	_ =	shalt  }
0x72: {  	_ =	shalt  }
0x73: {  	_ =	shalt  }
0x74: {  	_ =	shalt  }
0x75: {  	_ =	shalt  }
0x76: {  	_ =	shalt  }
0x77: {  	_ =	shalt  }
0x78: {  	_ =	shalt  }
0x79: {  	_ =	shalt  }
0x7a: {  	_ =	shalt  }
0x7b: {  	_ =	shalt  }
0x7c: {  	_ =	shalt  }
0x7d: {  	_ =	shalt  }
0x7e: {  	_ =	shalt  }
0x7f: {  	_ =	shalt  }
0x80: {  	_ =	shalt  }
0x81: {  	_ =	shalt  }
0x82: {  	_ =	shalt  }
0x83: {  	_ =	shalt  }
0x84: {  	_ =	shalt  }
0x85: {  	_ =	shalt  }
0x86: {  	_ =	shalt  }
0x87: {  	_ =	shalt  }
.Lfunc_end0:
.L_simem_size_0:
called_computation_lowered:
.L_overlay_start_0:
0x88: {  	s2 =	sld [smem:$0x3FD9]  }
0x89: {  	s3 =	sld [smem:$0x3FFE];
	_ =	sdelay $0x1  }
0x8a: {  	s1 =	srdreg.scid  }
0x8b: {  	s0 =	sand.u32 $0x1, s1  }
0x8c: {  	s14 =	sshll.u32 s0, $0xA;
	s2 =	sadd.s32 s3, s2  }
0x8d: {  	s2 =	sadd.s32 s2, s14  }
0x8e: {  	[smem:$0x3FC7] =	sst s2  }
0x8f: {  	_ = 	snop  }
0x90: {  	s2 =	sld [smem:$0x3FD0];
	_ =	sdelay $0x2  }
0x91: {  	s15 =	simm.s32 $0xD;
	s4 =	simm.s32 $0x10  }
0x92: {  	[smem:s4], [sflag:s15] =	dma.local [hbm:s2], $0x1  }
0x93: {  	_ =	swait.eq [sflag:s15], $0x1  }
0x94: {  	[sflag:s15] =	ssyncset.done $0x0  }
0x95: {  	[sflag:s15] =	ssyncadd.s32 $0xFFFFFFFF  }
0x96: {  	s16 =	sld [smem:$0x10];
	(tm) =	ssettm $0x1  }
0x97: {  	s17 =	sld [smem:$0x3FFB];
	_ =	sdelay $0x3  }
0x98: {  	_ =	strace s17  }
0x99: {  	s3 =	sld [smem:$0x3FFC];
	_ =	sdelay $0x3  }
0x9a: {  	_ =	strace s3  }
0x9b: {  	s3 =	sld [smem:$0x3FFD];
	_ =	sdelay $0x3  }
0x9c: {  	_ =	strace s3  }
0x9d: {  	_ =	strace $0x8FFFFFFF  }
0x9e: {  	s18 =	sld [smem:$0x3FDB];
	_ =	sdelay $0x1  }
0x9f: {  	s19 =	simm.s32 $_scs_section_size  }
0xa0: {  	s5 =	simm.s32 $_size__tile_overlayer_lowered;
	s6 =	simm.s32 $_tile_overlayer_lowered  }
0xa1: {  	s22 =	simm.s32 $0x1BFF;
	s21 =	sshll.u32 s6, $0x1;
	s3 =	sadd.s32 s19, s18  }
0xa2: {  	s7 =	simm.s32 $0x0;
	s20 =	sshll.u32 s5, $0x1;
	s5 =	sadd.s32 s21, s3  }
0xa3: {  	[timem:s7], [sflag:s22] =	dma.local [hbm:s5], s20  }
0xa4: {  	_ =	swait.ge [sflag:s22], s20  }
0xa5: {  	s4 =	ssub.s32 $0x0, s20;
	[sflag:s22] =	ssyncset.done $0x0  }
0xa6: {  	[sflag:s22] =	ssyncadd.s32 s4;
	_ =	sdelay $0x1  }
0xa7: {  	s23 =	simm.s32 $0x1B8B  }
0xa8: {  	_ =	swait.ge [sflag:s23], $0x1  }
0xa9: {  	[sflag:s23] =	ssyncset.done $0x0  }
0xaa: {  	s25 =	simm.s32 $0x1B8E;
	s24 =	sld [smem:$0x3FFE];
	[sflag:s23] =	ssyncadd.s32 $0xFFFFFFFF  }
0xab: {  	s26 =	simm.s32 $execute0_lowered;
	[smem:$0x3FD2] =	sst s25  }
0xac: {  	s5 =	sshll.u32 s26, $0x1;
	_ =	strace $0x80000046;
	[dreg:$0x1] =	wrdreg $0xFFFFFFFF  }
0xad: {  	s28 =	simm.s32 $_size_execute0_lowered;
	s3 =	sadd.s32 s3, s5;
	[dreg:$0x0] =	wrdreg $0x0  }
0xae: {  	s5 =	sshll.u32 s28, $0x1;
	[dreg:$0x2] =	wrdreg s3  }
0xaf: {  	[dreg:$0x3] =	wrdreg s5  }
0xb0: {  	[dreg:$0x4] =	wrdreg $0xC0  }
0xb1: {  	_ =	task [dreg:s7], $0x5FFFF  }
0xb2: {  	[dreg:$0x1] =	wrdreg $0xFFFFFFFF  }
0xb3: {  	[dreg:$0x0] =	wrdreg $0x60  }
0xb4: {  	[dreg:$0x2] =	wrdreg s16  }
0xb5: {  	[dreg:$0x3] =	wrdreg s24  }
0xb6: {  	[dreg:$0x4] =	wrdreg $0x9  }
0xb7: {  	_ =	task.clear_ibuf [dreg:s7], $0x5FFFF;
	_ =	strace $0x90000046  }
0xb8: {  	s29 =	simm.s32 $0x9;
	_ =	strace $0x80000048  }
0xb9: {  	_ =	swait.ge [sflag:s29], $0x1  }
0xba: {  	[sflag:s29] =	ssyncadd.s32 $0xFFFFFFFF  }
0xbb: {  	_ =	strace $0x90000048  }
0xbc: {  	_ =	sfence  }
0xbd: {  	s30 =	sld [smem:$0x0];
	_ =	sdelay $0x2  }
0xbe: {  	s31 =	sshll.u32 s1, $0xD;
	s1 =	sshrl.u32 s1, $0x2  }
0xbf: {  	s3 =	sand.u32 $0x4000, s31;
	s1 =	sadd.s32 s1, s30  }
0xc0: {  	s0 =	sor.u32 s3, s0;
	s1 =	sshll.u32 s1, $0x11  }
0xc1: {  	s0 =	sor.u32 s1, s0  }
0xc2: {  	s0 =	sadd.s32 $0x8F2B, s0  }
0xc3: {  	[sflag:s0] =	ssyncadd.remote.s32 $0x1  }
0xc4: {  	_ =	sfence.sel $0xFFFF  }
0xc5: {  	[dreg:$0x0] =	wrdreg $0xFFFFFFFF;
	(pc) =	sbr.abs _section_cstart, $3  }
0xc6: {  	[dreg:$0x1] =	wrdreg $0xFFFFFFFF  }
0xc7: {  	_ =	task.clear_ibuf [dreg:s7], $0x2FFFF;
	_ =	strace $0x9FFFFFFF  }
0xc8: {  	(tm) =	ssettm $0x7FFFFFFF  }
0xc9: {  	_ =	shalt  }
tec
execute0_lowered:
.L_overlay_start_1:
0x0: {  	(tag) =	ssettag $0x1  }
0x1: {  	s1 =	rddreg [dreg:$0x0]  }
0x2: {  	s4 =	rddreg [dreg:$0x1]  }
0x3: {  	s0 =	rddreg [dreg:$0x2]  }
0x4: {  	s5 =	srdreg.scid;
	s3 =	simm.s32 $0x0;
	s2 =	stileid.u32  }
0x5: {  	s10 =	simm.s32 $0x4800;
	s11 =	simm.s32 $0x8800;
	s12 =	simm.s32 $0xC800  }
0x6: {  	s13 =	simm.s32 $0x1;
	s14 =	simm.s32 $0x2;
	s15 =	simm.s32 $0x3  }
0x7: {  	s16 =	simm.s32 $0x4;
	s17 =	simm.s32 $0x5;
	s18 =	simm.s32 $0x6  }
0x8: {  	s19 =	simm.s32 $0x7;
	s20 =	simm.s32 $0x8;
	s21 =	simm.s32 $0x0  }
0x9: {  	s5 =	sand.u32 $0x1, s5;
	[smem:$0x7FF] =	sst s3;
	s6 =	sshll.u32 s2, $0xC  }
0xa: {  	s30 =	sshll.u32 s2, $0x10;
	s7 =	sshll.u32 s5, $0xB;
	_ =	strace $0x80000047  }
0xb: {  	s8 =	ssub.s32 $0x2, s5;
	s5 =	sshll.u32 s5, $0xF;
	s6 =	sor.u32 s7, s6  }
0xc: {  	s7 =	sadd.s32 s30, s4;
	s9 =	sshrl.u32 s8, $0x1;
	s6 =	sshrl.u32 s6, $0x3  }
0xd: {  	s31 =	ssub.s32 s8, s9;
	s7 =	sadd.s32 s5, s7;
	s8 =	simm.s32 $0x80  }
0xe: {  	s9 =	simm.s32 $0x800;
	s4 =	sadd.s32 s6, s4;
	s5 =	smax.u32 s31, $0x1  }
0xf: {  	s6 =	sadd.s32 $0x7600, s7;
	s7 =	simm.s32 $0x9;
	s4 =	sadd.s32 $0x1600, s4  }
.LBB2_1:
0x10: {  	[tilespmem:s3], [sflag:$0x9] =	stream.linear.gather [hbm4b:s4+s3], $0x800, $0x38;
	[tilespmem:$0x10800] =	vst v63  }
0x11: {  	_ =	swait.ge [sflag:s7], $0x800  }
0x12: {  	[sflag:s7] =	ssyncset.done $0x0  }
0x13: {  	s22 =	simm.s32 $0x0;
	[sflag:s7] =	ssyncadd.s32 $0xFFFFF800  }
0x14: {  	[tilespmem:s9], [sflag:$0x1] =	stream.indirect.gather [hbm4b:s1+s8], $0x80, s22, s8, $0xb8;
	[tilespmem:$0x10800] =	vst v63  }
0x15: {  	s26 =	simm.s32 $0x80  }
0x16: {  	[tilespmem:s10], [sflag:$0x2] =	stream.indirect.gather [hbm4b:s1+s8], $0x80, s26, s8, $0xb8;
	[tilespmem:$0x10800] =	vst v63  }
0x17: {  	s28 =	simm.s32 $0x100  }
0x18: {  	[tilespmem:s11], [sflag:$0x3] =	stream.indirect.gather [hbm4b:s1+s8], $0x80, s28, s8, $0xb8;
	[tilespmem:$0x10800] =	vst v63  }
0x19: {  	s29 =	simm.s32 $0x180  }
0x1a: {  	[tilespmem:s12], [sflag:$0x4] =	stream.indirect.gather [hbm4b:s1+s8], $0x80, s29, s8, $0xb8;
	[tilespmem:$0x10800] =	vst v63  }
0x1b: {  	_ =	swait.ge [sflag:s13], $0x4000  }
0x1c: {  	[sflag:s13] =	ssyncset.done $0x0  }
0x1d: {  	s30 =	sadd.s32 $0x0, s6;
	[sflag:s13] =	ssyncadd.s32 $0xFFFFC000  }
0x1e: {  	[hbm4b:s30+s3] =	stream.linear.scatter [tilespmem:s9], [sflag:$0x5], $0x4000, $0x38;
	[tilespmem:$0x10800] =	vst v63  }
0x1f: {  	_ =	swait.ge [sflag:s14], $0x4000  }
0x20: {  	[sflag:s14] =	ssyncset.done $0x0  }
0x21: {  	s23 =	sadd.s32 $0x800, s30;
	[sflag:s14] =	ssyncadd.s32 $0xFFFFC000  }
0x22: {  	[hbm4b:s23+s3] =	stream.linear.scatter [tilespmem:s10], [sflag:$0x6], $0x4000, $0x38;
	[tilespmem:$0x10800] =	vst v63  }
0x23: {  	_ =	swait.ge [sflag:s15], $0x4000  }
0x24: {  	[sflag:s15] =	ssyncset.done $0x0  }
0x25: {  	s31 =	sadd.s32 $0x1000, s30;
	[sflag:s15] =	ssyncadd.s32 $0xFFFFC000  }
0x26: {  	[hbm4b:s31+s3] =	stream.linear.scatter [tilespmem:s11], [sflag:$0x7], $0x4000, $0x38;
	[tilespmem:$0x10800] =	vst v63  }
0x27: {  	_ =	swait.ge [sflag:s16], $0x4000  }
0x28: {  	[sflag:s16] =	ssyncset.done $0x0  }
0x29: {  	s22 =	sadd.s32 $0x1800, s30;
	[sflag:s16] =	ssyncadd.s32 $0xFFFFC000  }
0x2a: {  	[hbm4b:s22+s3] =	stream.linear.scatter [tilespmem:s12], [sflag:$0x8], $0x4000, $0x38;
	[tilespmem:$0x10800] =	vst v63  }
0x2b: {  	_ =	swait.ge [sflag:s17], $0x4000  }
0x2c: {  	[sflag:s17] =	ssyncset.done $0x0  }
0x2d: {  	[sflag:s17] =	ssyncadd.s32 $0xFFFFC000  }
0x2e: {  	_ =	swait.ge [sflag:s18], $0x4000  }
0x2f: {  	[sflag:s18] =	ssyncset.done $0x0  }
0x30: {  	[sflag:s18] =	ssyncadd.s32 $0xFFFFC000  }
0x31: {  	_ =	swait.ge [sflag:s19], $0x4000  }
0x32: {  	[sflag:s19] =	ssyncset.done $0x0  }
0x33: {  	[sflag:s19] =	ssyncadd.s32 $0xFFFFC000  }
0x34: {  	s24 =	simm.s32 $0x4000;
	_ =	swait.ge [sflag:s20], $0x4000  }
0x35: {  	s23 =	simm.s32 $0x300;
	s22 =	simm.s32 $0x2000;
	[sflag:s20] =	ssyncset.done $0x0  }
.LBB2_2:
0x36: {  	p0 =	sne.s32 s24, $0x6000;
	s25 =	sadd.s32 $0xFFFFFF00, s23;
	[sflag:s20] =	ssyncadd.s32 $0xFFFFC000  }
0x37: {  	[tilespmem:s9], [sflag:$0x1] =	stream.indirect.gather [hbm4b:s1+s8], $0x80, s25, s8, $0xb8;
	[tilespmem:$0x10800] =	vst v63  }
0x38: {  	s26 =	smov.u32 s24;
	s24 =	sadd.s32 $0x2000, s24;
	s25 =	sadd.s32 $0xFFFFFF80, s23  }
0x39: {  	[tilespmem:s10], [sflag:$0x2] =	stream.indirect.gather [hbm4b:s1+s8], $0x80, s25, s8, $0xb8;
	[tilespmem:$0x10800] =	vst v63  }
0x3a: {  	_ = 	snop  }
0x3b: {  	[tilespmem:s11], [sflag:$0x3] =	stream.indirect.gather [hbm4b:s1+s8], $0x80, s23, s8, $0xb8;
	[tilespmem:$0x10800] =	vst v63  }
0x3c: {  	s25 =	sadd.s32 $0x80, s23  }
0x3d: {  	[tilespmem:s12], [sflag:$0x4] =	stream.indirect.gather [hbm4b:s1+s8], $0x80, s25, s8, $0xb8;
	[tilespmem:$0x10800] =	vst v63  }
0x3e: {  	_ =	swait.ge [sflag:s13], $0x4000  }
0x3f: {  	[sflag:s13] =	ssyncset.done $0x0  }
0x40: {  	s25 =	sadd.s32 s22, s6;
	s22 =	smov.u32 s26;
	[sflag:s13] =	ssyncadd.s32 $0xFFFFC000  }
0x41: {  	[hbm4b:s25+s3] =	stream.linear.scatter [tilespmem:s9], [sflag:$0x5], $0x4000, $0x38;
	[tilespmem:$0x10800] =	vst v63  }
0x42: {  	_ =	swait.ge [sflag:s14], $0x4000  }
0x43: {  	[sflag:s14] =	ssyncset.done $0x0  }
0x44: {  	s26 =	sadd.s32 $0x800, s25;
	[sflag:s14] =	ssyncadd.s32 $0xFFFFC000  }
0x45: {  	[hbm4b:s26+s3] =	stream.linear.scatter [tilespmem:s10], [sflag:$0x6], $0x4000, $0x38;
	[tilespmem:$0x10800] =	vst v63  }
0x46: {  	_ =	swait.ge [sflag:s15], $0x4000  }
0x47: {  	[sflag:s15] =	ssyncset.done $0x0  }
0x48: {  	s26 =	sadd.s32 $0x1000, s25;
	[sflag:s15] =	ssyncadd.s32 $0xFFFFC000  }
0x49: {  	[hbm4b:s26+s3] =	stream.linear.scatter [tilespmem:s11], [sflag:$0x7], $0x4000, $0x38;
	[tilespmem:$0x10800] =	vst v63  }
0x4a: {  	_ =	swait.ge [sflag:s16], $0x4000  }
0x4b: {  	[sflag:s16] =	ssyncset.done $0x0  }
0x4c: {  	s25 =	sadd.s32 $0x1800, s25;
	[sflag:s16] =	ssyncadd.s32 $0xFFFFC000  }
0x4d: {  	[hbm4b:s25+s3] =	stream.linear.scatter [tilespmem:s12], [sflag:$0x8], $0x4000, $0x38;
	[tilespmem:$0x10800] =	vst v63  }
0x4e: {  	_ =	swait.ge [sflag:s17], $0x4000  }
0x4f: {  	[sflag:s17] =	ssyncset.done $0x0  }
0x50: {  	[sflag:s17] =	ssyncadd.s32 $0xFFFFC000  }
0x51: {  	_ =	swait.ge [sflag:s18], $0x4000  }
0x52: {  	[sflag:s18] =	ssyncset.done $0x0  }
0x53: {  	[sflag:s18] =	ssyncadd.s32 $0xFFFFC000  }
.Ltmp0:
0x54: {  	_ =	swait.ge [sflag:s19], $0x4000;
	(pc) =	sbr.rel @p0 .LBB2_2-.Ltmp0, $4  }
0x55: {  	[sflag:s19] =	ssyncset.done $0x0  }
0x56: {  	[sflag:s19] =	ssyncadd.s32 $0xFFFFC000  }
0x57: {  	_ =	swait.ge [sflag:s20], $0x4000  }
0x58: {  	s23 =	sadd.s32 $0x200, s23;
	[sflag:s20] =	ssyncset.done $0x0  }
0x59: {  	s24 =	sadd.s32 $0xFFFFFF00, s23;
	[sflag:s20] =	ssyncadd.s32 $0xFFFFC000  }
0x5a: {  	[tilespmem:s9], [sflag:$0x1] =	stream.indirect.gather [hbm4b:s1+s8], $0x80, s24, s8, $0xb8;
	[tilespmem:$0x10800] =	vst v63  }
0x5b: {  	s28 =	sadd.s32 $0xFFFFFF80, s23  }
0x5c: {  	[tilespmem:s10], [sflag:$0x2] =	stream.indirect.gather [hbm4b:s1+s8], $0x80, s28, s8, $0xb8;
	[tilespmem:$0x10800] =	vst v63  }
0x5d: {  	_ = 	snop  }
0x5e: {  	[tilespmem:s11], [sflag:$0x3] =	stream.indirect.gather [hbm4b:s1+s8], $0x80, s23, s8, $0xb8;
	[tilespmem:$0x10800] =	vst v63  }
0x5f: {  	s29 =	sadd.s32 $0x80, s23  }
0x60: {  	[tilespmem:s12], [sflag:$0x4] =	stream.indirect.gather [hbm4b:s1+s8], $0x80, s29, s8, $0xb8;
	[tilespmem:$0x10800] =	vst v63  }
0x61: {  	_ =	swait.ge [sflag:s13], $0x4000  }
0x62: {  	[sflag:s13] =	ssyncset.done $0x0  }
0x63: {  	s22 =	sadd.s32 s22, s6;
	[sflag:s13] =	ssyncadd.s32 $0xFFFFC000  }
0x64: {  	[hbm4b:s22+s3] =	stream.linear.scatter [tilespmem:s9], [sflag:$0x5], $0x4000, $0x38;
	[tilespmem:$0x10800] =	vst v63  }
0x65: {  	_ =	swait.ge [sflag:s14], $0x4000  }
0x66: {  	[sflag:s14] =	ssyncset.done $0x0  }
0x67: {  	s30 =	sadd.s32 $0x800, s22;
	[sflag:s14] =	ssyncadd.s32 $0xFFFFC000  }
0x68: {  	[hbm4b:s30+s3] =	stream.linear.scatter [tilespmem:s10], [sflag:$0x6], $0x4000, $0x38;
	[tilespmem:$0x10800] =	vst v63  }
0x69: {  	_ =	swait.ge [sflag:s15], $0x4000  }
0x6a: {  	[sflag:s15] =	ssyncset.done $0x0  }
0x6b: {  	s31 =	sadd.s32 $0x1000, s22;
	[sflag:s15] =	ssyncadd.s32 $0xFFFFC000  }
0x6c: {  	[hbm4b:s31+s3] =	stream.linear.scatter [tilespmem:s11], [sflag:$0x7], $0x4000, $0x38;
	[tilespmem:$0x10800] =	vst v63  }
0x6d: {  	_ =	swait.ge [sflag:s16], $0x4000  }
0x6e: {  	[sflag:s16] =	ssyncset.done $0x0  }
0x6f: {  	s22 =	sadd.s32 $0x1800, s22;
	[sflag:s16] =	ssyncadd.s32 $0xFFFFC000  }
0x70: {  	[hbm4b:s22+s3] =	stream.linear.scatter [tilespmem:s12], [sflag:$0x8], $0x4000, $0x38;
	[tilespmem:$0x10800] =	vst v63  }
0x71: {  	_ =	swait.ge [sflag:s17], $0x4000  }
0x72: {  	[sflag:s17] =	ssyncset.done $0x0  }
0x73: {  	[sflag:s17] =	ssyncadd.s32 $0xFFFFC000  }
0x74: {  	_ =	swait.ge [sflag:s18], $0x4000  }
0x75: {  	[sflag:s18] =	ssyncset.done $0x0  }
0x76: {  	s21 =	sadd.s32 $0x1, s21;
	[sflag:s18] =	ssyncadd.s32 $0xFFFFC000  }
0x77: {  	p0 =	sne.s32 s21, s5;
	_ =	swait.ge [sflag:s19], $0x4000  }
.Ltmp1:
0x78: {  	[sflag:s19] =	ssyncset.done $0x0;
	(pc) =	sbr.rel @p0 .LBB2_1-.Ltmp1, $4  }
0x79: {  	[sflag:s19] =	ssyncadd.s32 $0xFFFFC000  }
0x7a: {  	_ =	swait.ge [sflag:s20], $0x4000  }
0x7b: {  	[sflag:s20] =	ssyncset.done $0x0  }
0x7c: {  	[sflag:s20] =	ssyncadd.s32 $0xFFFFC000  }
0x7d: {  	_ =	sfence.sel $0x180000  }
0x7e: {  	[bflag:$0x0] =	sbarrier.arrive $0xFFFF  }
0x7f: {  	p0 =	sne.s32 s2, $0x0;
	_ =	strace $0x90000047  }
0x80: {  	s0 =	sadd.s32 @!p0 $0x100000, s0;
	[bflag:$0x2] =	sbarrier.arrive $0xFFFF  }
0x81: {  	[sflag:s0] =	ssyncadd.tile.s32 @!p0 $0x1;
	_ =	shalt  }
.Lfunc_end2:
_tile_overlayer_lowered:
.L_overlay_start_2:
0x82: {  	(tag) =	ssettag $0x2  }
0x83: {  	s0 =	rddreg [dreg:$0x0];
	s2 =	stileid.u32  }
0x84: {  	s1 =	rddreg [dreg:$0x1];
	p0 =	sne.s32 s2, $0x0  }
0x85: {  	s3 =	rddreg [dreg:$0x2];
	[bflag:$0x3] =	sbarrier.arrive $0xFFFF;
	s2 =	simm.s32 @!p0 $0x1C09  }
0x86: {  	[timem:s3], [sflag:s2] =	dma.local @!p0 [hbm:s0], s1  }
0x87: {  	s0 =	simm.s32 @!p0 $0x9  }
0x88: {  	_ =	swait.ge @!p0 [sflag:s0], s1  }
0x89: {  	s1 =	ssub.s32 @!p0 $0x0, s1;
	[sflag:s0] =	ssyncset.done @!p0 $0x0  }
0x8a: {  	[sflag:s0] =	ssyncadd.s32 @!p0 s1  }
0x8b: {  	[bflag:$0x3] =	sbarrier.arrive $0xFFFF  }
0x8c: {  	_ =	shalt  }

// kernel: kernel.17.cloned.1.call-start
scs
__scs_entry_jumppad:
0x0: {  	(pc) =	sbr.rel $0x88, $3  }
0x1: {  	(tag) =	ssettag $0x0;
	lr =	simm.s32 $0x1  }
0x2: {  	[smem:$0x3FA0] =	sst lr;
	_ =	strace $0xD0000000  }
0x3: {  	_ = 	snop  }
0x4: {  	_ = 	snop  }
0x5: {  	_ = 	snop  }
0x6: {  	_ = 	snop  }
0x7: {  	_ = 	snop  }
__scs_overlays_trampoline_lowered:
0x8: {  	[smem:$0x3FAF] =	sst s0  }
0x9: {  	[smem:$0x3FB0] =	sst s1  }
0xa: {  	[smem:$0x3FB1] =	sst s2  }
0xb: {  	[smem:$0x3FB2] =	sst s3  }
0xc: {  	[smem:$0x3FB3] =	sst s4  }
0xd: {  	[smem:$0x3FB4] =	sst s5  }
0xe: {  	[smem:$0x3FB5] =	sst s6  }
0xf: {  	[smem:$0x3FB6] =	sst s7  }
0x10: {  	[smem:$0x3FB7] =	sst s8  }
0x11: {  	[smem:$0x3FB8] =	sst s9;
	s0 =	simm.s32 @!p0 $0x0  }
0x12: {  	s1 =	sld [smem:$0x3F9E];
	s0 =	simm.s32 @p0 $0x1  }
0x13: {  	[smem:$0x3FB9] =	sst s0;
	s0 =	simm.s32 @!p1 $0x0  }
0x14: {  	s2 =	sld [smem:$0x3F9D];
	s0 =	simm.s32 @p1 $0x1  }
0x15: {  	[smem:$0x3FBA] =	sst s0;
	s0 =	simm.s32 @!p2 $0x0  }
0x16: {  	s3 =	sld [smem:$0x3FDB];
	s0 =	simm.s32 @p2 $0x1  }
0x17: {  	s4 =	simm.s32 $0x1BF5;
	[smem:$0x3FBC] =	sst s0  }
0x18: {  	s0 =	sld [smem:$0x3F9F];
	_ =	swait.ge [sflag:s4], $0x0  }
0x19: {  	s7 =	sld [smem:$0x3FA0]  }
0x1a: {  	s8 =	sadd.s32 $0xFFFFE003, lr  }
0x1b: {  	s9 =	sadd.s32 $0xFFFFFEF7, lr;
	s5 =	simm.s32 $0xFFFFFFFF;
	p2 =	slt.u32 s8, $0xFFFFF086  }
0x1c: {  	p1 =	slt.u32 s9, $0xF7A;
	s5 =	simm.s32 @!p2 $0x0  }
0x1d: {  	s5 =	simm.s32 @p1 $0x1;
	p0 =	seq.s32 s7, s2  }
0x1e: {  	s7 =	smul.u32 @!p0 $0xF7A, s2;
	p2 =	seq.s32 @!p0 s5, $0x0  }
0x1f: {  	s9 =	smul.u32 $0xF7A, s1;
	s8 =	simm.s32 @!p0 $0x1BF5;
	p2 =	por !p2, p0  }
0x20: {  	[sflag:s8] =	ssyncset.s32 @!p0 $0xFFFFF086;
	s6 =	sadd.s32 @!p0 s3, s7;
	s7 =	simm.s32 @!p0 $0x108  }
0x21: {  	s3 =	sadd.s32 s3, s9;
	s6 =	sadd.s32 @!p0 $0x88, s6;
	s7 =	simm.s32 @p2 $0x1082  }
0x22: {  	[simem:s7], [sflag:s8] =	dma.local @!p0 [hbm:s6], $0xF7A  }
0x23: {  	s9 =	sor.u32 $0xD0000000, s2;
	s6 =	simm.s32 $0x108;
	_ =	swait.ge @!p0 [sflag:s8], $0x0  }
0x24: {  	s3 =	sadd.s32 $0x88, s3;
	s6 =	simm.s32 @!p1 $0x1082;
	[sflag:s4] =	ssyncset.s32 $0xFFFFF086  }
0x25: {  	[simem:s6], [sflag:s4] =	dma.local [hbm:s3], $0xF7A  }
0x26: {  	[smem:$0x3FA0] =	sst s1;
	(tag) =	ssettag s2;
	_ =	strace s9  }
0x27: {  	s1 =	sld [smem:$0x3FB0]  }
0x28: {  	s2 =	sld [smem:$0x3FB1]  }
0x29: {  	s4 =	sld [smem:$0x3FB3]  }
0x2a: {  	p0 =	seq.s32 s5, $0x0;
	s5 =	sld [smem:$0x3FB4]  }
0x2b: {  	s6 =	sld [smem:$0x3FB5]  }
0x2c: {  	s7 =	sld [smem:$0x3FB6]  }
0x2d: {  	s3 =	simm.s32 $0x108;
	s8 =	sld [smem:$0x3FB7]  }
0x2e: {  	s3 =	simm.s32 @!p0 $0x1082;
	s9 =	sld [smem:$0x3FB8]  }
0x2f: {  	lr =	sadd.s32 s0, s3;
	s0 =	sld [smem:$0x3FAF]  }
0x30: {  	s3 =	sld [smem:$0x3FB2]  }
0x31: {  	[smem:$0x3FBB] =	sst s10  }
0x32: {  	s10 =	sld [smem:$0x3FB9];
	_ =	sdelay $0x3  }
0x33: {  	p0 =	seq.s32 s10, $0x1;
	s10 =	sld [smem:$0x3FBB];
	_ =	sdelay $0x3  }
0x34: {  	[smem:$0x3FBB] =	sst s10  }
0x35: {  	s10 =	sld [smem:$0x3FBA];
	_ =	sdelay $0x3  }
0x36: {  	p1 =	seq.s32 s10, $0x1;
	s10 =	sld [smem:$0x3FBB];
	_ =	sdelay $0x3  }
0x37: {  	[smem:$0x3FBB] =	sst s10  }
0x38: {  	s10 =	sld [smem:$0x3FBC]  }
0x39: {  	_ = 	snop;
	(pc) =	sbr.ind lr, $3  }
0x3a: {  	_ = 	snop  }
0x3b: {  	_ = 	snop  }
0x3c: {  	p2 =	seq.s32 s10, $0x1;
	s10 =	sld [smem:$0x3FBB]  }
0x3d: {  	_ =	shalt  }
0x3e: {  	_ =	shalt  }
0x3f: {  	_ =	shalt  }
0x40: {  	_ =	shalt  }
0x41: {  	_ =	shalt  }
0x42: {  	_ =	shalt  }
0x43: {  	_ =	shalt  }
0x44: {  	_ =	shalt  }
0x45: {  	_ =	shalt  }
0x46: {  	_ =	shalt  }
0x47: {  	_ =	shalt  }
0x48: {  	_ =	shalt  }
0x49: {  	_ =	shalt  }
0x4a: {  	_ =	shalt  }
0x4b: {  	_ =	shalt  }
0x4c: {  	_ =	shalt  }
0x4d: {  	_ =	shalt  }
0x4e: {  	_ =	shalt  }
0x4f: {  	_ =	shalt  }
0x50: {  	_ =	shalt  }
0x51: {  	_ =	shalt  }
0x52: {  	_ =	shalt  }
0x53: {  	_ =	shalt  }
0x54: {  	_ =	shalt  }
0x55: {  	_ =	shalt  }
0x56: {  	_ =	shalt  }
0x57: {  	_ =	shalt  }
0x58: {  	_ =	shalt  }
0x59: {  	_ =	shalt  }
0x5a: {  	_ =	shalt  }
0x5b: {  	_ =	shalt  }
0x5c: {  	_ =	shalt  }
0x5d: {  	_ =	shalt  }
0x5e: {  	_ =	shalt  }
0x5f: {  	_ =	shalt  }
0x60: {  	_ =	shalt  }
0x61: {  	_ =	shalt  }
0x62: {  	_ =	shalt  }
0x63: {  	_ =	shalt  }
0x64: {  	_ =	shalt  }
0x65: {  	_ =	shalt  }
0x66: {  	_ =	shalt  }
0x67: {  	_ =	shalt  }
0x68: {  	_ =	shalt  }
0x69: {  	_ =	shalt  }
0x6a: {  	_ =	shalt  }
0x6b: {  	_ =	shalt  }
0x6c: {  	_ =	shalt  }
0x6d: {  	_ =	shalt  }
0x6e: {  	_ =	shalt  }
0x6f: {  	_ =	shalt  }
0x70: {  	_ =	shalt  }
0x71: {  	_ =	shalt  }
0x72: {  	_ =	shalt  }
0x73: {  	_ =	shalt  }
0x74: {  	_ =	shalt  }
0x75: {  	_ =	shalt  }
0x76: {  	_ =	shalt  }
0x77: {  	_ =	shalt  }
0x78: {  	_ =	shalt  }
0x79: {  	_ =	shalt  }
0x7a: {  	_ =	shalt  }
0x7b: {  	_ =	shalt  }
0x7c: {  	_ =	shalt  }
0x7d: {  	_ =	shalt  }
0x7e: {  	_ =	shalt  }
0x7f: {  	_ =	shalt  }
0x80: {  	_ =	shalt  }
0x81: {  	_ =	shalt  }
0x82: {  	_ =	shalt  }
0x83: {  	_ =	shalt  }
0x84: {  	_ =	shalt  }
0x85: {  	_ =	shalt  }
0x86: {  	_ =	shalt  }
0x87: {  	_ =	shalt  }
.Lfunc_end0:
.L_simem_size_0:
called_computation.1_lowered:
.L_overlay_start_0:
0x88: {  	s2 =	sld [smem:$0x3FD9]  }
0x89: {  	s3 =	sld [smem:$0x3FFE];
	_ =	sdelay $0x1  }
0x8a: {  	s1 =	srdreg.scid  }
0x8b: {  	s0 =	sand.u32 $0x1, s1  }
0x8c: {  	s17 =	sshll.u32 s0, $0xA;
	s2 =	sadd.s32 s3, s2  }
0x8d: {  	s2 =	sadd.s32 s2, s17  }
0x8e: {  	[smem:$0x3FC7] =	sst s2  }
0x8f: {  	_ = 	snop  }
0x90: {  	(tm) =	ssettm $0x1  }
0x91: {  	s18 =	sld [smem:$0x3FFB];
	_ =	sdelay $0x3  }
0x92: {  	_ =	strace s18  }
0x93: {  	s2 =	sld [smem:$0x3FFC];
	_ =	sdelay $0x3  }
0x94: {  	_ =	strace s2  }
0x95: {  	s2 =	sld [smem:$0x3FFD];
	_ =	sdelay $0x3  }
0x96: {  	_ =	strace s2  }
0x97: {  	_ =	strace $0x8FFFFFFF  }
0x98: {  	s19 =	sld [smem:$0x3FDB];
	_ =	sdelay $0x1  }
0x99: {  	s20 =	simm.s32 $_scs_section_size  }
0x9a: {  	s4 =	simm.s32 $_size__tile_overlayer_lowered;
	s5 =	simm.s32 $_tile_overlayer_lowered  }
0x9b: {  	s6 =	simm.s32 $0x1BFF;
	s21 =	sshll.u32 s5, $0x1;
	s3 =	sadd.s32 s20, s19  }
0x9c: {  	s22 =	simm.s32 $0x0;
	s4 =	sshll.u32 s4, $0x1;
	s5 =	sadd.s32 s21, s3  }
0x9d: {  	[timem:s22], [sflag:s6] =	dma.local [hbm:s5], s4  }
0x9e: {  	_ =	swait.ge [sflag:s6], s4  }
0x9f: {  	s4 =	ssub.s32 $0x0, s4;
	[sflag:s6] =	ssyncset.done $0x0  }
0xa0: {  	[sflag:s6] =	ssyncadd.s32 s4;
	_ =	sdelay $0x1  }
0xa1: {  	s23 =	simm.s32 $0x1B8B  }
0xa2: {  	_ =	swait.ge [sflag:s23], $0x1  }
0xa3: {  	[sflag:s23] =	ssyncset.done $0x0  }
0xa4: {  	[sflag:s23] =	ssyncadd.s32 $0xFFFFFFFF  }
0xa5: {  	s4 =	sld [smem:$0x0]  }
0xa6: {  	s5 =	sand.u32 $0xFFFFFFFE, s1  }
0xa7: {  	p0 =	sne.s32 s1, s5  }
0xa8: {  	s5 =	sshll.u32 @p0 s5, $0xE  }
0xa9: {  	s5 =	sadd.s32 @p0 $0x11B8D, s5;
	s6 =	sshll.u32 @p0 s4, $0x11  }
0xaa: {  	s5 =	sor.u32 @p0 s6, s5  }
0xab: {  	[sflag:s5] =	ssyncadd.remote.s32 @p0 $0x1;
	_ =	sdelay $0x1  }
0xac: {  	s5 =	simm.s32 @p0 $0x1B8D  }
0xad: {  	_ =	swait.eq @p0 [sflag:s5], $0x1  }
0xae: {  	[sflag:s5] =	ssyncadd.s32 @p0 $0xFFFFFFFF  }
0xaf: {  	s6 =	sshll.u32 @!p0 s1, $0xE  }
0xb0: {  	s6 =	sor.u32 @!p0 $0x4000, s6;
	s5 =	simm.s32 @!p0 $0x1B8D  }
0xb1: {  	s4 =	sshll.u32 @!p0 s4, $0x11;
	s6 =	sadd.s32 @!p0 $0x11B8D, s6;
	_ =	swait.eq @!p0 [sflag:s5], $0x1  }
0xb2: {  	s4 =	sor.u32 @!p0 s4, s6;
	[sflag:s5] =	ssyncadd.s32 @!p0 $0xFFFFFFFF  }
0xb3: {  	s25 =	simm.s32 $0x1B8E;
	s24 =	sld [smem:$0x3FFE];
	[sflag:s4] =	ssyncadd.remote.s32 @!p0 $0x1  }
0xb4: {  	s26 =	simm.s32 $execute0_lowered;
	[smem:$0x3FD2] =	sst s25  }
0xb5: {  	s5 =	sshll.u32 s26, $0x1;
	_ =	strace $0x80000049;
	[dreg:$0x1] =	wrdreg $0xFFFFFFFF  }
0xb6: {  	s28 =	simm.s32 $_size_execute0_lowered;
	s3 =	sadd.s32 s3, s5;
	[dreg:$0x0] =	wrdreg $0x0  }
0xb7: {  	s5 =	sshll.u32 s28, $0x1;
	[dreg:$0x2] =	wrdreg s3  }
0xb8: {  	[dreg:$0x3] =	wrdreg s5  }
0xb9: {  	[dreg:$0x4] =	wrdreg $0xC0  }
0xba: {  	_ =	task [dreg:s22], $0x5FFFF  }
0xbb: {  	[dreg:$0x1] =	wrdreg $0xFFFFFFFF  }
0xbc: {  	[dreg:$0x0] =	wrdreg $0x60  }
0xbd: {  	[dreg:$0x2] =	wrdreg s24  }
0xbe: {  	[dreg:$0x3] =	wrdreg $0xA  }
0xbf: {  	_ =	task.clear_ibuf [dreg:s22], $0x4FFFF;
	_ =	strace $0x90000049  }
0xc0: {  	s29 =	simm.s32 $0xA;
	_ =	strace $0x8000004B  }
0xc1: {  	_ =	swait.ge [sflag:s29], $0x1  }
0xc2: {  	[sflag:s29] =	ssyncadd.s32 $0xFFFFFFFF  }
0xc3: {  	_ =	strace $0x9000004B  }
0xc4: {  	_ =	sfence  }
0xc5: {  	s30 =	sld [smem:$0x0];
	_ =	sdelay $0x2  }
0xc6: {  	s31 =	sshll.u32 s1, $0xD;
	s1 =	sshrl.u32 s1, $0x2  }
0xc7: {  	s4 =	sand.u32 $0x4000, s31;
	s1 =	sadd.s32 s1, s30  }
0xc8: {  	s0 =	sor.u32 s4, s0;
	s1 =	sshll.u32 s1, $0x11  }
0xc9: {  	s0 =	sor.u32 s1, s0  }
0xca: {  	s0 =	sadd.s32 $0x8F2B, s0  }
0xcb: {  	[sflag:s0] =	ssyncadd.remote.s32 $0x1  }
0xcc: {  	_ =	sfence.sel $0xFFFF  }
0xcd: {  	[dreg:$0x0] =	wrdreg $0xFFFFFFFF;
	(pc) =	sbr.abs _section_cstart, $3  }
0xce: {  	[dreg:$0x1] =	wrdreg $0xFFFFFFFF  }
0xcf: {  	_ =	task.clear_ibuf [dreg:s22], $0x2FFFF;
	_ =	strace $0x9FFFFFFF  }
0xd0: {  	(tm) =	ssettm $0x7FFFFFFF  }
0xd1: {  	_ =	shalt  }
tec
execute0_lowered:
.L_overlay_start_1:
0x0: {  	(tag) =	ssettag $0x1  }
0x1: {  	s4 =	rddreg [dreg:$0x0]  }
0x2: {  	s0 =	rddreg [dreg:$0x1];
	s3 =	srdreg.scid  }
0x3: {  	s2 =	simm.s32 $0x0;
	s1 =	stileid.u32;
	s10 =	simm.s32 $0x4800  }
0x4: {  	s11 =	simm.s32 $0x8800;
	s12 =	simm.s32 $0xC800;
	s13 =	simm.s32 $0x1  }
0x5: {  	s14 =	simm.s32 $0x2;
	s15 =	simm.s32 $0x3;
	s16 =	simm.s32 $0x4  }
0x6: {  	s17 =	simm.s32 $0x5;
	s18 =	simm.s32 $0x6;
	s19 =	simm.s32 $0x7  }
0x7: {  	s20 =	simm.s32 $0x8;
	s21 =	simm.s32 $0x0;
	s5 =	sand.u32 $0x1, s3  }
0x8: {  	[smem:$0x7FF] =	sst s2;
	s6 =	sshll.u32 s1, $0xC;
	s3 =	sadd.s32 $0x107600, s4  }
0x9: {  	s30 =	sshll.u32 s1, $0x10;
	s7 =	sshll.u32 s5, $0xB;
	_ =	strace $0x8000004A  }
0xa: {  	s8 =	ssub.s32 $0x2, s5;
	s5 =	sshll.u32 s5, $0xF;
	s6 =	sor.u32 s7, s6  }
0xb: {  	s7 =	sadd.s32 s30, s4;
	s9 =	sshrl.u32 s8, $0x1;
	s6 =	sshrl.u32 s6, $0x3  }
0xc: {  	s31 =	ssub.s32 s8, s9;
	s7 =	sadd.s32 s5, s7;
	s8 =	simm.s32 $0x80  }
0xd: {  	s9 =	simm.s32 $0x800;
	s4 =	sadd.s32 s6, s4;
	s5 =	smax.u32 s31, $0x1  }
0xe: {  	s6 =	sadd.s32 $0x207600, s7;
	s7 =	simm.s32 $0x9;
	s4 =	sadd.s32 $0x3600, s4  }
.LBB2_1:
0xf: {  	[tilespmem:s2], [sflag:$0x9] =	stream.linear.gather [hbm4b:s4+s2], $0x800, $0x38;
	[tilespmem:$0x10800] =	vst v63  }
0x10: {  	_ =	swait.ge [sflag:s7], $0x800  }
0x11: {  	[sflag:s7] =	ssyncset.done $0x0  }
0x12: {  	s22 =	simm.s32 $0x0;
	[sflag:s7] =	ssyncadd.s32 $0xFFFFF800  }
0x13: {  	[tilespmem:s9], [sflag:$0x1] =	stream.indirect.gather [hbm4b:s3+s8], $0x80, s22, s8, $0xb8;
	[tilespmem:$0x10800] =	vst v63  }
0x14: {  	s26 =	simm.s32 $0x80  }
0x15: {  	[tilespmem:s10], [sflag:$0x2] =	stream.indirect.gather [hbm4b:s3+s8], $0x80, s26, s8, $0xb8;
	[tilespmem:$0x10800] =	vst v63  }
0x16: {  	s28 =	simm.s32 $0x100  }
0x17: {  	[tilespmem:s11], [sflag:$0x3] =	stream.indirect.gather [hbm4b:s3+s8], $0x80, s28, s8, $0xb8;
	[tilespmem:$0x10800] =	vst v63  }
0x18: {  	s29 =	simm.s32 $0x180  }
0x19: {  	[tilespmem:s12], [sflag:$0x4] =	stream.indirect.gather [hbm4b:s3+s8], $0x80, s29, s8, $0xb8;
	[tilespmem:$0x10800] =	vst v63  }
0x1a: {  	_ =	swait.ge [sflag:s13], $0x4000  }
0x1b: {  	[sflag:s13] =	ssyncset.done $0x0  }
0x1c: {  	s30 =	sadd.s32 $0x0, s6;
	[sflag:s13] =	ssyncadd.s32 $0xFFFFC000  }
0x1d: {  	[hbm4b:s30+s2] =	stream.linear.scatter [tilespmem:s9], [sflag:$0x5], $0x4000, $0x38;
	[tilespmem:$0x10800] =	vst v63  }
0x1e: {  	_ =	swait.ge [sflag:s14], $0x4000  }
0x1f: {  	[sflag:s14] =	ssyncset.done $0x0  }
0x20: {  	s23 =	sadd.s32 $0x800, s30;
	[sflag:s14] =	ssyncadd.s32 $0xFFFFC000  }
0x21: {  	[hbm4b:s23+s2] =	stream.linear.scatter [tilespmem:s10], [sflag:$0x6], $0x4000, $0x38;
	[tilespmem:$0x10800] =	vst v63  }
0x22: {  	_ =	swait.ge [sflag:s15], $0x4000  }
0x23: {  	[sflag:s15] =	ssyncset.done $0x0  }
0x24: {  	s31 =	sadd.s32 $0x1000, s30;
	[sflag:s15] =	ssyncadd.s32 $0xFFFFC000  }
0x25: {  	[hbm4b:s31+s2] =	stream.linear.scatter [tilespmem:s11], [sflag:$0x7], $0x4000, $0x38;
	[tilespmem:$0x10800] =	vst v63  }
0x26: {  	_ =	swait.ge [sflag:s16], $0x4000  }
0x27: {  	[sflag:s16] =	ssyncset.done $0x0  }
0x28: {  	s22 =	sadd.s32 $0x1800, s30;
	[sflag:s16] =	ssyncadd.s32 $0xFFFFC000  }
0x29: {  	[hbm4b:s22+s2] =	stream.linear.scatter [tilespmem:s12], [sflag:$0x8], $0x4000, $0x38;
	[tilespmem:$0x10800] =	vst v63  }
0x2a: {  	_ =	swait.ge [sflag:s17], $0x4000  }
0x2b: {  	[sflag:s17] =	ssyncset.done $0x0  }
0x2c: {  	[sflag:s17] =	ssyncadd.s32 $0xFFFFC000  }
0x2d: {  	_ =	swait.ge [sflag:s18], $0x4000  }
0x2e: {  	[sflag:s18] =	ssyncset.done $0x0  }
0x2f: {  	[sflag:s18] =	ssyncadd.s32 $0xFFFFC000  }
0x30: {  	_ =	swait.ge [sflag:s19], $0x4000  }
0x31: {  	[sflag:s19] =	ssyncset.done $0x0  }
0x32: {  	[sflag:s19] =	ssyncadd.s32 $0xFFFFC000  }
0x33: {  	s24 =	simm.s32 $0x4000;
	_ =	swait.ge [sflag:s20], $0x4000  }
0x34: {  	s23 =	simm.s32 $0x300;
	s22 =	simm.s32 $0x2000;
	[sflag:s20] =	ssyncset.done $0x0  }
.LBB2_2:
0x35: {  	p0 =	sne.s32 s24, $0x6000;
	s25 =	sadd.s32 $0xFFFFFF00, s23;
	[sflag:s20] =	ssyncadd.s32 $0xFFFFC000  }
0x36: {  	[tilespmem:s9], [sflag:$0x1] =	stream.indirect.gather [hbm4b:s3+s8], $0x80, s25, s8, $0xb8;
	[tilespmem:$0x10800] =	vst v63  }
0x37: {  	s26 =	smov.u32 s24;
	s24 =	sadd.s32 $0x2000, s24;
	s25 =	sadd.s32 $0xFFFFFF80, s23  }
0x38: {  	[tilespmem:s10], [sflag:$0x2] =	stream.indirect.gather [hbm4b:s3+s8], $0x80, s25, s8, $0xb8;
	[tilespmem:$0x10800] =	vst v63  }
0x39: {  	_ = 	snop  }
0x3a: {  	[tilespmem:s11], [sflag:$0x3] =	stream.indirect.gather [hbm4b:s3+s8], $0x80, s23, s8, $0xb8;
	[tilespmem:$0x10800] =	vst v63  }
0x3b: {  	s25 =	sadd.s32 $0x80, s23  }
0x3c: {  	[tilespmem:s12], [sflag:$0x4] =	stream.indirect.gather [hbm4b:s3+s8], $0x80, s25, s8, $0xb8;
	[tilespmem:$0x10800] =	vst v63  }
0x3d: {  	_ =	swait.ge [sflag:s13], $0x4000  }
0x3e: {  	[sflag:s13] =	ssyncset.done $0x0  }
0x3f: {  	s25 =	sadd.s32 s22, s6;
	s22 =	smov.u32 s26;
	[sflag:s13] =	ssyncadd.s32 $0xFFFFC000  }
0x40: {  	[hbm4b:s25+s2] =	stream.linear.scatter [tilespmem:s9], [sflag:$0x5], $0x4000, $0x38;
	[tilespmem:$0x10800] =	vst v63  }
0x41: {  	_ =	swait.ge [sflag:s14], $0x4000  }
0x42: {  	[sflag:s14] =	ssyncset.done $0x0  }
0x43: {  	s26 =	sadd.s32 $0x800, s25;
	[sflag:s14] =	ssyncadd.s32 $0xFFFFC000  }
0x44: {  	[hbm4b:s26+s2] =	stream.linear.scatter [tilespmem:s10], [sflag:$0x6], $0x4000, $0x38;
	[tilespmem:$0x10800] =	vst v63  }
0x45: {  	_ =	swait.ge [sflag:s15], $0x4000  }
0x46: {  	[sflag:s15] =	ssyncset.done $0x0  }
0x47: {  	s26 =	sadd.s32 $0x1000, s25;
	[sflag:s15] =	ssyncadd.s32 $0xFFFFC000  }
0x48: {  	[hbm4b:s26+s2] =	stream.linear.scatter [tilespmem:s11], [sflag:$0x7], $0x4000, $0x38;
	[tilespmem:$0x10800] =	vst v63  }
0x49: {  	_ =	swait.ge [sflag:s16], $0x4000  }
0x4a: {  	[sflag:s16] =	ssyncset.done $0x0  }
0x4b: {  	s25 =	sadd.s32 $0x1800, s25;
	[sflag:s16] =	ssyncadd.s32 $0xFFFFC000  }
0x4c: {  	[hbm4b:s25+s2] =	stream.linear.scatter [tilespmem:s12], [sflag:$0x8], $0x4000, $0x38;
	[tilespmem:$0x10800] =	vst v63  }
0x4d: {  	_ =	swait.ge [sflag:s17], $0x4000  }
0x4e: {  	[sflag:s17] =	ssyncset.done $0x0  }
0x4f: {  	[sflag:s17] =	ssyncadd.s32 $0xFFFFC000  }
0x50: {  	_ =	swait.ge [sflag:s18], $0x4000  }
0x51: {  	[sflag:s18] =	ssyncset.done $0x0  }
0x52: {  	[sflag:s18] =	ssyncadd.s32 $0xFFFFC000  }
.Ltmp0:
0x53: {  	_ =	swait.ge [sflag:s19], $0x4000;
	(pc) =	sbr.rel @p0 .LBB2_2-.Ltmp0, $4  }
0x54: {  	[sflag:s19] =	ssyncset.done $0x0  }
0x55: {  	[sflag:s19] =	ssyncadd.s32 $0xFFFFC000  }
0x56: {  	_ =	swait.ge [sflag:s20], $0x4000  }
0x57: {  	s23 =	sadd.s32 $0x200, s23;
	[sflag:s20] =	ssyncset.done $0x0  }
0x58: {  	s24 =	sadd.s32 $0xFFFFFF00, s23;
	[sflag:s20] =	ssyncadd.s32 $0xFFFFC000  }
0x59: {  	[tilespmem:s9], [sflag:$0x1] =	stream.indirect.gather [hbm4b:s3+s8], $0x80, s24, s8, $0xb8;
	[tilespmem:$0x10800] =	vst v63  }
0x5a: {  	s28 =	sadd.s32 $0xFFFFFF80, s23  }
0x5b: {  	[tilespmem:s10], [sflag:$0x2] =	stream.indirect.gather [hbm4b:s3+s8], $0x80, s28, s8, $0xb8;
	[tilespmem:$0x10800] =	vst v63  }
0x5c: {  	_ = 	snop  }
0x5d: {  	[tilespmem:s11], [sflag:$0x3] =	stream.indirect.gather [hbm4b:s3+s8], $0x80, s23, s8, $0xb8;
	[tilespmem:$0x10800] =	vst v63  }
0x5e: {  	s29 =	sadd.s32 $0x80, s23  }
0x5f: {  	[tilespmem:s12], [sflag:$0x4] =	stream.indirect.gather [hbm4b:s3+s8], $0x80, s29, s8, $0xb8;
	[tilespmem:$0x10800] =	vst v63  }
0x60: {  	_ =	swait.ge [sflag:s13], $0x4000  }
0x61: {  	[sflag:s13] =	ssyncset.done $0x0  }
0x62: {  	s22 =	sadd.s32 s22, s6;
	[sflag:s13] =	ssyncadd.s32 $0xFFFFC000  }
0x63: {  	[hbm4b:s22+s2] =	stream.linear.scatter [tilespmem:s9], [sflag:$0x5], $0x4000, $0x38;
	[tilespmem:$0x10800] =	vst v63  }
0x64: {  	_ =	swait.ge [sflag:s14], $0x4000  }
0x65: {  	[sflag:s14] =	ssyncset.done $0x0  }
0x66: {  	s30 =	sadd.s32 $0x800, s22;
	[sflag:s14] =	ssyncadd.s32 $0xFFFFC000  }
0x67: {  	[hbm4b:s30+s2] =	stream.linear.scatter [tilespmem:s10], [sflag:$0x6], $0x4000, $0x38;
	[tilespmem:$0x10800] =	vst v63  }
0x68: {  	_ =	swait.ge [sflag:s15], $0x4000  }
0x69: {  	[sflag:s15] =	ssyncset.done $0x0  }
0x6a: {  	s31 =	sadd.s32 $0x1000, s22;
	[sflag:s15] =	ssyncadd.s32 $0xFFFFC000  }
0x6b: {  	[hbm4b:s31+s2] =	stream.linear.scatter [tilespmem:s11], [sflag:$0x7], $0x4000, $0x38;
	[tilespmem:$0x10800] =	vst v63  }
0x6c: {  	_ =	swait.ge [sflag:s16], $0x4000  }
0x6d: {  	[sflag:s16] =	ssyncset.done $0x0  }
0x6e: {  	s22 =	sadd.s32 $0x1800, s22;
	[sflag:s16] =	ssyncadd.s32 $0xFFFFC000  }
0x6f: {  	[hbm4b:s22+s2] =	stream.linear.scatter [tilespmem:s12], [sflag:$0x8], $0x4000, $0x38;
	[tilespmem:$0x10800] =	vst v63  }
0x70: {  	_ =	swait.ge [sflag:s17], $0x4000  }
0x71: {  	[sflag:s17] =	ssyncset.done $0x0  }
0x72: {  	[sflag:s17] =	ssyncadd.s32 $0xFFFFC000  }
0x73: {  	_ =	swait.ge [sflag:s18], $0x4000  }
0x74: {  	[sflag:s18] =	ssyncset.done $0x0  }
0x75: {  	s21 =	sadd.s32 $0x1, s21;
	[sflag:s18] =	ssyncadd.s32 $0xFFFFC000  }
0x76: {  	p0 =	sne.s32 s21, s5;
	_ =	swait.ge [sflag:s19], $0x4000  }
.Ltmp1:
0x77: {  	[sflag:s19] =	ssyncset.done $0x0;
	(pc) =	sbr.rel @p0 .LBB2_1-.Ltmp1, $4  }
0x78: {  	[sflag:s19] =	ssyncadd.s32 $0xFFFFC000  }
0x79: {  	_ =	swait.ge [sflag:s20], $0x4000  }
0x7a: {  	[sflag:s20] =	ssyncset.done $0x0  }
0x7b: {  	[sflag:s20] =	ssyncadd.s32 $0xFFFFC000  }
0x7c: {  	_ =	sfence.sel $0x180000  }
0x7d: {  	[bflag:$0x0] =	sbarrier.arrive $0xFFFF  }
0x7e: {  	p0 =	sne.s32 s1, $0x0;
	_ =	strace $0x9000004A  }
0x7f: {  	s0 =	sadd.s32 @!p0 $0x100000, s0;
	[bflag:$0x2] =	sbarrier.arrive $0xFFFF  }
0x80: {  	[sflag:s0] =	ssyncadd.tile.s32 @!p0 $0x1;
	_ =	shalt  }
.Lfunc_end2:
_tile_overlayer_lowered:
.L_overlay_start_2:
0x81: {  	(tag) =	ssettag $0x2  }
0x82: {  	s0 =	rddreg [dreg:$0x0];
	s2 =	stileid.u32  }
0x83: {  	s1 =	rddreg [dreg:$0x1];
	p0 =	sne.s32 s2, $0x0  }
0x84: {  	s3 =	rddreg [dreg:$0x2];
	[bflag:$0x3] =	sbarrier.arrive $0xFFFF;
	s2 =	simm.s32 @!p0 $0x1C09  }
0x85: {  	[timem:s3], [sflag:s2] =	dma.local @!p0 [hbm:s0], s1  }
0x86: {  	s0 =	simm.s32 @!p0 $0x9  }
0x87: {  	_ =	swait.ge @!p0 [sflag:s0], s1  }
0x88: {  	s1 =	ssub.s32 @!p0 $0x0, s1;
	[sflag:s0] =	ssyncset.done @!p0 $0x0  }
0x89: {  	[sflag:s0] =	ssyncadd.s32 @!p0 s1  }
0x8a: {  	[bflag:$0x3] =	sbarrier.arrive $0xFFFF  }
0x8b: {  	_ =	shalt  }

// kernel: kernel.20.cloned.1.call-start
scs
__scs_entry_jumppad:
0x0: {  	(pc) =	sbr.rel $0x88, $3  }
0x1: {  	(tag) =	ssettag $0x0;
	lr =	simm.s32 $0x1  }
0x2: {  	[smem:$0x3FA0] =	sst lr;
	_ =	strace $0xD0000000  }
0x3: {  	_ = 	snop  }
0x4: {  	_ = 	snop  }
0x5: {  	_ = 	snop  }
0x6: {  	_ = 	snop  }
0x7: {  	_ = 	snop  }
__scs_overlays_trampoline_lowered:
0x8: {  	[smem:$0x3FAF] =	sst s0  }
0x9: {  	[smem:$0x3FB0] =	sst s1  }
0xa: {  	[smem:$0x3FB1] =	sst s2  }
0xb: {  	[smem:$0x3FB2] =	sst s3  }
0xc: {  	[smem:$0x3FB3] =	sst s4  }
0xd: {  	[smem:$0x3FB4] =	sst s5  }
0xe: {  	[smem:$0x3FB5] =	sst s6  }
0xf: {  	[smem:$0x3FB6] =	sst s7  }
0x10: {  	[smem:$0x3FB7] =	sst s8  }
0x11: {  	[smem:$0x3FB8] =	sst s9;
	s0 =	simm.s32 @!p0 $0x0  }
0x12: {  	s1 =	sld [smem:$0x3F9E];
	s0 =	simm.s32 @p0 $0x1  }
0x13: {  	[smem:$0x3FB9] =	sst s0;
	s0 =	simm.s32 @!p1 $0x0  }
0x14: {  	s2 =	sld [smem:$0x3F9D];
	s0 =	simm.s32 @p1 $0x1  }
0x15: {  	[smem:$0x3FBA] =	sst s0;
	s0 =	simm.s32 @!p2 $0x0  }
0x16: {  	s3 =	sld [smem:$0x3FDB];
	s0 =	simm.s32 @p2 $0x1  }
0x17: {  	s4 =	simm.s32 $0x1BF5;
	[smem:$0x3FBC] =	sst s0  }
0x18: {  	s0 =	sld [smem:$0x3F9F];
	_ =	swait.ge [sflag:s4], $0x0  }
0x19: {  	s7 =	sld [smem:$0x3FA0]  }
0x1a: {  	s8 =	sadd.s32 $0xFFFFE003, lr  }
0x1b: {  	s9 =	sadd.s32 $0xFFFFFEF7, lr;
	s5 =	simm.s32 $0xFFFFFFFF;
	p2 =	slt.u32 s8, $0xFFFFF086  }
0x1c: {  	p1 =	slt.u32 s9, $0xF7A;
	s5 =	simm.s32 @!p2 $0x0  }
0x1d: {  	s5 =	simm.s32 @p1 $0x1;
	p0 =	seq.s32 s7, s2  }
0x1e: {  	s7 =	smul.u32 @!p0 $0xF7A, s2;
	p2 =	seq.s32 @!p0 s5, $0x0  }
0x1f: {  	s9 =	smul.u32 $0xF7A, s1;
	s8 =	simm.s32 @!p0 $0x1BF5;
	p2 =	por !p2, p0  }
0x20: {  	[sflag:s8] =	ssyncset.s32 @!p0 $0xFFFFF086;
	s6 =	sadd.s32 @!p0 s3, s7;
	s7 =	simm.s32 @!p0 $0x108  }
0x21: {  	s3 =	sadd.s32 s3, s9;
	s6 =	sadd.s32 @!p0 $0x88, s6;
	s7 =	simm.s32 @p2 $0x1082  }
0x22: {  	[simem:s7], [sflag:s8] =	dma.local @!p0 [hbm:s6], $0xF7A  }
0x23: {  	s9 =	sor.u32 $0xD0000000, s2;
	s6 =	simm.s32 $0x108;
	_ =	swait.ge @!p0 [sflag:s8], $0x0  }
0x24: {  	s3 =	sadd.s32 $0x88, s3;
	s6 =	simm.s32 @!p1 $0x1082;
	[sflag:s4] =	ssyncset.s32 $0xFFFFF086  }
0x25: {  	[simem:s6], [sflag:s4] =	dma.local [hbm:s3], $0xF7A  }
0x26: {  	[smem:$0x3FA0] =	sst s1;
	(tag) =	ssettag s2;
	_ =	strace s9  }
0x27: {  	s1 =	sld [smem:$0x3FB0]  }
0x28: {  	s2 =	sld [smem:$0x3FB1]  }
0x29: {  	s4 =	sld [smem:$0x3FB3]  }
0x2a: {  	p0 =	seq.s32 s5, $0x0;
	s5 =	sld [smem:$0x3FB4]  }
0x2b: {  	s6 =	sld [smem:$0x3FB5]  }
0x2c: {  	s7 =	sld [smem:$0x3FB6]  }
0x2d: {  	s3 =	simm.s32 $0x108;
	s8 =	sld [smem:$0x3FB7]  }
0x2e: {  	s3 =	simm.s32 @!p0 $0x1082;
	s9 =	sld [smem:$0x3FB8]  }
0x2f: {  	lr =	sadd.s32 s0, s3;
	s0 =	sld [smem:$0x3FAF]  }
0x30: {  	s3 =	sld [smem:$0x3FB2]  }
0x31: {  	[smem:$0x3FBB] =	sst s10  }
0x32: {  	s10 =	sld [smem:$0x3FB9];
	_ =	sdelay $0x3  }
0x33: {  	p0 =	seq.s32 s10, $0x1;
	s10 =	sld [smem:$0x3FBB];
	_ =	sdelay $0x3  }
0x34: {  	[smem:$0x3FBB] =	sst s10  }
0x35: {  	s10 =	sld [smem:$0x3FBA];
	_ =	sdelay $0x3  }
0x36: {  	p1 =	seq.s32 s10, $0x1;
	s10 =	sld [smem:$0x3FBB];
	_ =	sdelay $0x3  }
0x37: {  	[smem:$0x3FBB] =	sst s10  }
0x38: {  	s10 =	sld [smem:$0x3FBC]  }
0x39: {  	_ = 	snop;
	(pc) =	sbr.ind lr, $3  }
0x3a: {  	_ = 	snop  }
0x3b: {  	_ = 	snop  }
0x3c: {  	p2 =	seq.s32 s10, $0x1;
	s10 =	sld [smem:$0x3FBB]  }
0x3d: {  	_ =	shalt  }
0x3e: {  	_ =	shalt  }
0x3f: {  	_ =	shalt  }
0x40: {  	_ =	shalt  }
0x41: {  	_ =	shalt  }
0x42: {  	_ =	shalt  }
0x43: {  	_ =	shalt  }
0x44: {  	_ =	shalt  }
0x45: {  	_ =	shalt  }
0x46: {  	_ =	shalt  }
0x47: {  	_ =	shalt  }
0x48: {  	_ =	shalt  }
0x49: {  	_ =	shalt  }
0x4a: {  	_ =	shalt  }
0x4b: {  	_ =	shalt  }
0x4c: {  	_ =	shalt  }
0x4d: {  	_ =	shalt  }
0x4e: {  	_ =	shalt  }
0x4f: {  	_ =	shalt  }
0x50: {  	_ =	shalt  }
0x51: {  	_ =	shalt  }
0x52: {  	_ =	shalt  }
0x53: {  	_ =	shalt  }
0x54: {  	_ =	shalt  }
0x55: {  	_ =	shalt  }
0x56: {  	_ =	shalt  }
0x57: {  	_ =	shalt  }
0x58: {  	_ =	shalt  }
0x59: {  	_ =	shalt  }
0x5a: {  	_ =	shalt  }
0x5b: {  	_ =	shalt  }
0x5c: {  	_ =	shalt  }
0x5d: {  	_ =	shalt  }
0x5e: {  	_ =	shalt  }
0x5f: {  	_ =	shalt  }
0x60: {  	_ =	shalt  }
0x61: {  	_ =	shalt  }
0x62: {  	_ =	shalt  }
0x63: {  	_ =	shalt  }
0x64: {  	_ =	shalt  }
0x65: {  	_ =	shalt  }
0x66: {  	_ =	shalt  }
0x67: {  	_ =	shalt  }
0x68: {  	_ =	shalt  }
0x69: {  	_ =	shalt  }
0x6a: {  	_ =	shalt  }
0x6b: {  	_ =	shalt  }
0x6c: {  	_ =	shalt  }
0x6d: {  	_ =	shalt  }
0x6e: {  	_ =	shalt  }
0x6f: {  	_ =	shalt  }
0x70: {  	_ =	shalt  }
0x71: {  	_ =	shalt  }
0x72: {  	_ =	shalt  }
0x73: {  	_ =	shalt  }
0x74: {  	_ =	shalt  }
0x75: {  	_ =	shalt  }
0x76: {  	_ =	shalt  }
0x77: {  	_ =	shalt  }
0x78: {  	_ =	shalt  }
0x79: {  	_ =	shalt  }
0x7a: {  	_ =	shalt  }
0x7b: {  	_ =	shalt  }
0x7c: {  	_ =	shalt  }
0x7d: {  	_ =	shalt  }
0x7e: {  	_ =	shalt  }
0x7f: {  	_ =	shalt  }
0x80: {  	_ =	shalt  }
0x81: {  	_ =	shalt  }
0x82: {  	_ =	shalt  }
0x83: {  	_ =	shalt  }
0x84: {  	_ =	shalt  }
0x85: {  	_ =	shalt  }
0x86: {  	_ =	shalt  }
0x87: {  	_ =	shalt  }
.Lfunc_end0:
.L_simem_size_0:
called_computation.2_lowered:
.L_overlay_start_0:
0x88: {  	s2 =	sld [smem:$0x3FD9]  }
0x89: {  	s3 =	sld [smem:$0x3FFE];
	_ =	sdelay $0x1  }
0x8a: {  	s1 =	srdreg.scid  }
0x8b: {  	s0 =	sand.u32 $0x1, s1  }
0x8c: {  	s17 =	sshll.u32 s0, $0xA;
	s2 =	sadd.s32 s3, s2  }
0x8d: {  	s2 =	sadd.s32 s2, s17  }
0x8e: {  	[smem:$0x3FC7] =	sst s2  }
0x8f: {  	_ = 	snop  }
0x90: {  	(tm) =	ssettm $0x1  }
0x91: {  	s18 =	sld [smem:$0x3FFB];
	_ =	sdelay $0x3  }
0x92: {  	_ =	strace s18  }
0x93: {  	s2 =	sld [smem:$0x3FFC];
	_ =	sdelay $0x3  }
0x94: {  	_ =	strace s2  }
0x95: {  	s2 =	sld [smem:$0x3FFD];
	_ =	sdelay $0x3  }
0x96: {  	_ =	strace s2  }
0x97: {  	_ =	strace $0x8FFFFFFF  }
0x98: {  	s19 =	sld [smem:$0x3FDB];
	_ =	sdelay $0x1  }
0x99: {  	s20 =	simm.s32 $_scs_section_size  }
0x9a: {  	s4 =	simm.s32 $_size__tile_overlayer_lowered;
	s5 =	simm.s32 $_tile_overlayer_lowered  }
0x9b: {  	s6 =	simm.s32 $0x1BFF;
	s21 =	sshll.u32 s5, $0x1;
	s3 =	sadd.s32 s20, s19  }
0x9c: {  	s22 =	simm.s32 $0x0;
	s4 =	sshll.u32 s4, $0x1;
	s5 =	sadd.s32 s21, s3  }
0x9d: {  	[timem:s22], [sflag:s6] =	dma.local [hbm:s5], s4  }
0x9e: {  	_ =	swait.ge [sflag:s6], s4  }
0x9f: {  	s4 =	ssub.s32 $0x0, s4;
	[sflag:s6] =	ssyncset.done $0x0  }
0xa0: {  	[sflag:s6] =	ssyncadd.s32 s4;
	_ =	sdelay $0x1  }
0xa1: {  	s23 =	simm.s32 $0x1B8B  }
0xa2: {  	_ =	swait.ge [sflag:s23], $0x1  }
0xa3: {  	[sflag:s23] =	ssyncset.done $0x0  }
0xa4: {  	[sflag:s23] =	ssyncadd.s32 $0xFFFFFFFF  }
0xa5: {  	s4 =	sld [smem:$0x0]  }
0xa6: {  	s5 =	sand.u32 $0xFFFFFFFE, s1  }
0xa7: {  	p0 =	sne.s32 s1, s5  }
0xa8: {  	s5 =	sshll.u32 @p0 s5, $0xE  }
0xa9: {  	s5 =	sadd.s32 @p0 $0x11B8D, s5;
	s6 =	sshll.u32 @p0 s4, $0x11  }
0xaa: {  	s5 =	sor.u32 @p0 s6, s5  }
0xab: {  	[sflag:s5] =	ssyncadd.remote.s32 @p0 $0x1;
	_ =	sdelay $0x1  }
0xac: {  	s5 =	simm.s32 @p0 $0x1B8D  }
0xad: {  	_ =	swait.eq @p0 [sflag:s5], $0x1  }
0xae: {  	[sflag:s5] =	ssyncadd.s32 @p0 $0xFFFFFFFF  }
0xaf: {  	s6 =	sshll.u32 @!p0 s1, $0xE  }
0xb0: {  	s6 =	sor.u32 @!p0 $0x4000, s6;
	s5 =	simm.s32 @!p0 $0x1B8D  }
0xb1: {  	s4 =	sshll.u32 @!p0 s4, $0x11;
	s6 =	sadd.s32 @!p0 $0x11B8D, s6;
	_ =	swait.eq @!p0 [sflag:s5], $0x1  }
0xb2: {  	s4 =	sor.u32 @!p0 s4, s6;
	[sflag:s5] =	ssyncadd.s32 @!p0 $0xFFFFFFFF  }
0xb3: {  	s25 =	simm.s32 $0x1B8E;
	s24 =	sld [smem:$0x3FFE];
	[sflag:s4] =	ssyncadd.remote.s32 @!p0 $0x1  }
0xb4: {  	s26 =	simm.s32 $execute0_lowered;
	[smem:$0x3FD2] =	sst s25  }
0xb5: {  	s5 =	sshll.u32 s26, $0x1;
	_ =	strace $0x8000004C;
	[dreg:$0x1] =	wrdreg $0xFFFFFFFF  }
0xb6: {  	s28 =	simm.s32 $_size_execute0_lowered;
	s3 =	sadd.s32 s3, s5;
	[dreg:$0x0] =	wrdreg $0x0  }
0xb7: {  	s5 =	sshll.u32 s28, $0x1;
	[dreg:$0x2] =	wrdreg s3  }
0xb8: {  	[dreg:$0x3] =	wrdreg s5  }
0xb9: {  	[dreg:$0x4] =	wrdreg $0xC0  }
0xba: {  	_ =	task [dreg:s22], $0x5FFFF  }
0xbb: {  	[dreg:$0x1] =	wrdreg $0xFFFFFFFF  }
0xbc: {  	[dreg:$0x0] =	wrdreg $0x60  }
0xbd: {  	[dreg:$0x2] =	wrdreg s24  }
0xbe: {  	[dreg:$0x3] =	wrdreg $0xB  }
0xbf: {  	_ =	task.clear_ibuf [dreg:s22], $0x4FFFF;
	_ =	strace $0x9000004C  }
0xc0: {  	s29 =	simm.s32 $0xB;
	_ =	strace $0x8000004E  }
0xc1: {  	_ =	swait.ge [sflag:s29], $0x1  }
0xc2: {  	[sflag:s29] =	ssyncadd.s32 $0xFFFFFFFF  }
0xc3: {  	_ =	strace $0x9000004E  }
0xc4: {  	_ =	sfence  }
0xc5: {  	s30 =	sld [smem:$0x0];
	_ =	sdelay $0x2  }
0xc6: {  	s31 =	sshll.u32 s1, $0xD;
	s1 =	sshrl.u32 s1, $0x2  }
0xc7: {  	s4 =	sand.u32 $0x4000, s31;
	s1 =	sadd.s32 s1, s30  }
0xc8: {  	s0 =	sor.u32 s4, s0;
	s1 =	sshll.u32 s1, $0x11  }
0xc9: {  	s0 =	sor.u32 s1, s0  }
0xca: {  	s0 =	sadd.s32 $0x8F2B, s0  }
0xcb: {  	[sflag:s0] =	ssyncadd.remote.s32 $0x1  }
0xcc: {  	_ =	sfence.sel $0xFFFF  }
0xcd: {  	[dreg:$0x0] =	wrdreg $0xFFFFFFFF;
	(pc) =	sbr.abs _section_cstart, $3  }
0xce: {  	[dreg:$0x1] =	wrdreg $0xFFFFFFFF  }
0xcf: {  	_ =	task.clear_ibuf [dreg:s22], $0x2FFFF;
	_ =	strace $0x9FFFFFFF  }
0xd0: {  	(tm) =	ssettm $0x7FFFFFFF  }
0xd1: {  	_ =	shalt  }
tec
execute0_lowered:
.L_overlay_start_1:
0x0: {  	(tag) =	ssettag $0x1  }
0x1: {  	s4 =	rddreg [dreg:$0x0]  }
0x2: {  	s0 =	rddreg [dreg:$0x1];
	s3 =	srdreg.scid  }
0x3: {  	s2 =	simm.s32 $0x0;
	s1 =	stileid.u32;
	s10 =	simm.s32 $0x4800  }
0x4: {  	s11 =	simm.s32 $0x8800;
	s12 =	simm.s32 $0xC800;
	s13 =	simm.s32 $0x1  }
0x5: {  	s14 =	simm.s32 $0x2;
	s15 =	simm.s32 $0x3;
	s16 =	simm.s32 $0x4  }
0x6: {  	s17 =	simm.s32 $0x5;
	s18 =	simm.s32 $0x6;
	s19 =	simm.s32 $0x7  }
0x7: {  	s20 =	simm.s32 $0x8;
	s21 =	simm.s32 $0x0;
	s5 =	sand.u32 $0x1, s3  }
0x8: {  	[smem:$0x7FF] =	sst s2;
	s6 =	sshll.u32 s1, $0xC;
	s3 =	sadd.s32 $0x307600, s4  }
0x9: {  	s30 =	sshll.u32 s1, $0x10;
	s7 =	sshll.u32 s5, $0xB;
	_ =	strace $0x8000004D  }
0xa: {  	s8 =	ssub.s32 $0x2, s5;
	s5 =	sshll.u32 s5, $0xF;
	s6 =	sor.u32 s7, s6  }
0xb: {  	s7 =	sadd.s32 s30, s4;
	s9 =	sshrl.u32 s8, $0x1;
	s6 =	sshrl.u32 s6, $0x3  }
0xc: {  	s31 =	ssub.s32 s8, s9;
	s7 =	sadd.s32 s5, s7;
	s8 =	simm.s32 $0x80  }
0xd: {  	s9 =	simm.s32 $0x800;
	s4 =	sadd.s32 s6, s4;
	s5 =	smax.u32 s31, $0x1  }
0xe: {  	s6 =	sadd.s32 $0x407600, s7;
	s7 =	simm.s32 $0x9;
	s4 =	sadd.s32 $0x5600, s4  }
.LBB2_1:
0xf: {  	[tilespmem:s2], [sflag:$0x9] =	stream.linear.gather [hbm4b:s4+s2], $0x800, $0x38;
	[tilespmem:$0x10800] =	vst v63  }
0x10: {  	_ =	swait.ge [sflag:s7], $0x800  }
0x11: {  	[sflag:s7] =	ssyncset.done $0x0  }
0x12: {  	s22 =	simm.s32 $0x0;
	[sflag:s7] =	ssyncadd.s32 $0xFFFFF800  }
0x13: {  	[tilespmem:s9], [sflag:$0x1] =	stream.indirect.gather [hbm4b:s3+s8], $0x80, s22, s8, $0xb8;
	[tilespmem:$0x10800] =	vst v63  }
0x14: {  	s26 =	simm.s32 $0x80  }
0x15: {  	[tilespmem:s10], [sflag:$0x2] =	stream.indirect.gather [hbm4b:s3+s8], $0x80, s26, s8, $0xb8;
	[tilespmem:$0x10800] =	vst v63  }
0x16: {  	s28 =	simm.s32 $0x100  }
0x17: {  	[tilespmem:s11], [sflag:$0x3] =	stream.indirect.gather [hbm4b:s3+s8], $0x80, s28, s8, $0xb8;
	[tilespmem:$0x10800] =	vst v63  }
0x18: {  	s29 =	simm.s32 $0x180  }
0x19: {  	[tilespmem:s12], [sflag:$0x4] =	stream.indirect.gather [hbm4b:s3+s8], $0x80, s29, s8, $0xb8;
	[tilespmem:$0x10800] =	vst v63  }
0x1a: {  	_ =	swait.ge [sflag:s13], $0x4000  }
0x1b: {  	[sflag:s13] =	ssyncset.done $0x0  }
0x1c: {  	s30 =	sadd.s32 $0x0, s6;
	[sflag:s13] =	ssyncadd.s32 $0xFFFFC000  }
0x1d: {  	[hbm4b:s30+s2] =	stream.linear.scatter [tilespmem:s9], [sflag:$0x5], $0x4000, $0x38;
	[tilespmem:$0x10800] =	vst v63  }
0x1e: {  	_ =	swait.ge [sflag:s14], $0x4000  }
0x1f: {  	[sflag:s14] =	ssyncset.done $0x0  }
0x20: {  	s23 =	sadd.s32 $0x800, s30;
	[sflag:s14] =	ssyncadd.s32 $0xFFFFC000  }
0x21: {  	[hbm4b:s23+s2] =	stream.linear.scatter [tilespmem:s10], [sflag:$0x6], $0x4000, $0x38;
	[tilespmem:$0x10800] =	vst v63  }
0x22: {  	_ =	swait.ge [sflag:s15], $0x4000  }
0x23: {  	[sflag:s15] =	ssyncset.done $0x0  }
0x24: {  	s31 =	sadd.s32 $0x1000, s30;
	[sflag:s15] =	ssyncadd.s32 $0xFFFFC000  }
0x25: {  	[hbm4b:s31+s2] =	stream.linear.scatter [tilespmem:s11], [sflag:$0x7], $0x4000, $0x38;
	[tilespmem:$0x10800] =	vst v63  }
0x26: {  	_ =	swait.ge [sflag:s16], $0x4000  }
0x27: {  	[sflag:s16] =	ssyncset.done $0x0  }
0x28: {  	s22 =	sadd.s32 $0x1800, s30;
	[sflag:s16] =	ssyncadd.s32 $0xFFFFC000  }
0x29: {  	[hbm4b:s22+s2] =	stream.linear.scatter [tilespmem:s12], [sflag:$0x8], $0x4000, $0x38;
	[tilespmem:$0x10800] =	vst v63  }
0x2a: {  	_ =	swait.ge [sflag:s17], $0x4000  }
0x2b: {  	[sflag:s17] =	ssyncset.done $0x0  }
0x2c: {  	[sflag:s17] =	ssyncadd.s32 $0xFFFFC000  }
0x2d: {  	_ =	swait.ge [sflag:s18], $0x4000  }
0x2e: {  	[sflag:s18] =	ssyncset.done $0x0  }
0x2f: {  	[sflag:s18] =	ssyncadd.s32 $0xFFFFC000  }
0x30: {  	_ =	swait.ge [sflag:s19], $0x4000  }
0x31: {  	[sflag:s19] =	ssyncset.done $0x0  }
0x32: {  	[sflag:s19] =	ssyncadd.s32 $0xFFFFC000  }
0x33: {  	s24 =	simm.s32 $0x4000;
	_ =	swait.ge [sflag:s20], $0x4000  }
0x34: {  	s23 =	simm.s32 $0x300;
	s22 =	simm.s32 $0x2000;
	[sflag:s20] =	ssyncset.done $0x0  }
.LBB2_2:
0x35: {  	p0 =	sne.s32 s24, $0x6000;
	s25 =	sadd.s32 $0xFFFFFF00, s23;
	[sflag:s20] =	ssyncadd.s32 $0xFFFFC000  }
0x36: {  	[tilespmem:s9], [sflag:$0x1] =	stream.indirect.gather [hbm4b:s3+s8], $0x80, s25, s8, $0xb8;
	[tilespmem:$0x10800] =	vst v63  }
0x37: {  	s26 =	smov.u32 s24;
	s24 =	sadd.s32 $0x2000, s24;
	s25 =	sadd.s32 $0xFFFFFF80, s23  }
0x38: {  	[tilespmem:s10], [sflag:$0x2] =	stream.indirect.gather [hbm4b:s3+s8], $0x80, s25, s8, $0xb8;
	[tilespmem:$0x10800] =	vst v63  }
0x39: {  	_ = 	snop  }
0x3a: {  	[tilespmem:s11], [sflag:$0x3] =	stream.indirect.gather [hbm4b:s3+s8], $0x80, s23, s8, $0xb8;
	[tilespmem:$0x10800] =	vst v63  }
0x3b: {  	s25 =	sadd.s32 $0x80, s23  }
0x3c: {  	[tilespmem:s12], [sflag:$0x4] =	stream.indirect.gather [hbm4b:s3+s8], $0x80, s25, s8, $0xb8;
	[tilespmem:$0x10800] =	vst v63  }
0x3d: {  	_ =	swait.ge [sflag:s13], $0x4000  }
0x3e: {  	[sflag:s13] =	ssyncset.done $0x0  }
0x3f: {  	s25 =	sadd.s32 s22, s6;
	s22 =	smov.u32 s26;
	[sflag:s13] =	ssyncadd.s32 $0xFFFFC000  }
0x40: {  	[hbm4b:s25+s2] =	stream.linear.scatter [tilespmem:s9], [sflag:$0x5], $0x4000, $0x38;
	[tilespmem:$0x10800] =	vst v63  }
0x41: {  	_ =	swait.ge [sflag:s14], $0x4000  }
0x42: {  	[sflag:s14] =	ssyncset.done $0x0  }
0x43: {  	s26 =	sadd.s32 $0x800, s25;
	[sflag:s14] =	ssyncadd.s32 $0xFFFFC000  }
0x44: {  	[hbm4b:s26+s2] =	stream.linear.scatter [tilespmem:s10], [sflag:$0x6], $0x4000, $0x38;
	[tilespmem:$0x10800] =	vst v63  }
0x45: {  	_ =	swait.ge [sflag:s15], $0x4000  }
0x46: {  	[sflag:s15] =	ssyncset.done $0x0  }
0x47: {  	s26 =	sadd.s32 $0x1000, s25;
	[sflag:s15] =	ssyncadd.s32 $0xFFFFC000  }
0x48: {  	[hbm4b:s26+s2] =	stream.linear.scatter [tilespmem:s11], [sflag:$0x7], $0x4000, $0x38;
	[tilespmem:$0x10800] =	vst v63  }
0x49: {  	_ =	swait.ge [sflag:s16], $0x4000  }
0x4a: {  	[sflag:s16] =	ssyncset.done $0x0  }
0x4b: {  	s25 =	sadd.s32 $0x1800, s25;
	[sflag:s16] =	ssyncadd.s32 $0xFFFFC000  }
0x4c: {  	[hbm4b:s25+s2] =	stream.linear.scatter [tilespmem:s12], [sflag:$0x8], $0x4000, $0x38;
	[tilespmem:$0x10800] =	vst v63  }
0x4d: {  	_ =	swait.ge [sflag:s17], $0x4000  }
0x4e: {  	[sflag:s17] =	ssyncset.done $0x0  }
0x4f: {  	[sflag:s17] =	ssyncadd.s32 $0xFFFFC000  }
0x50: {  	_ =	swait.ge [sflag:s18], $0x4000  }
0x51: {  	[sflag:s18] =	ssyncset.done $0x0  }
0x52: {  	[sflag:s18] =	ssyncadd.s32 $0xFFFFC000  }
.Ltmp0:
0x53: {  	_ =	swait.ge [sflag:s19], $0x4000;
	(pc) =	sbr.rel @p0 .LBB2_2-.Ltmp0, $4  }
0x54: {  	[sflag:s19] =	ssyncset.done $0x0  }
0x55: {  	[sflag:s19] =	ssyncadd.s32 $0xFFFFC000  }
0x56: {  	_ =	swait.ge [sflag:s20], $0x4000  }
0x57: {  	s23 =	sadd.s32 $0x200, s23;
	[sflag:s20] =	ssyncset.done $0x0  }
0x58: {  	s24 =	sadd.s32 $0xFFFFFF00, s23;
	[sflag:s20] =	ssyncadd.s32 $0xFFFFC000  }
0x59: {  	[tilespmem:s9], [sflag:$0x1] =	stream.indirect.gather [hbm4b:s3+s8], $0x80, s24, s8, $0xb8;
	[tilespmem:$0x10800] =	vst v63  }
0x5a: {  	s28 =	sadd.s32 $0xFFFFFF80, s23  }
0x5b: {  	[tilespmem:s10], [sflag:$0x2] =	stream.indirect.gather [hbm4b:s3+s8], $0x80, s28, s8, $0xb8;
	[tilespmem:$0x10800] =	vst v63  }
0x5c: {  	_ = 	snop  }
0x5d: {  	[tilespmem:s11], [sflag:$0x3] =	stream.indirect.gather [hbm4b:s3+s8], $0x80, s23, s8, $0xb8;
	[tilespmem:$0x10800] =	vst v63  }
0x5e: {  	s29 =	sadd.s32 $0x80, s23  }
0x5f: {  	[tilespmem:s12], [sflag:$0x4] =	stream.indirect.gather [hbm4b:s3+s8], $0x80, s29, s8, $0xb8;
	[tilespmem:$0x10800] =	vst v63  }
0x60: {  	_ =	swait.ge [sflag:s13], $0x4000  }
0x61: {  	[sflag:s13] =	ssyncset.done $0x0  }
0x62: {  	s22 =	sadd.s32 s22, s6;
	[sflag:s13] =	ssyncadd.s32 $0xFFFFC000  }
0x63: {  	[hbm4b:s22+s2] =	stream.linear.scatter [tilespmem:s9], [sflag:$0x5], $0x4000, $0x38;
	[tilespmem:$0x10800] =	vst v63  }
0x64: {  	_ =	swait.ge [sflag:s14], $0x4000  }
0x65: {  	[sflag:s14] =	ssyncset.done $0x0  }
0x66: {  	s30 =	sadd.s32 $0x800, s22;
	[sflag:s14] =	ssyncadd.s32 $0xFFFFC000  }
0x67: {  	[hbm4b:s30+s2] =	stream.linear.scatter [tilespmem:s10], [sflag:$0x6], $0x4000, $0x38;
	[tilespmem:$0x10800] =	vst v63  }
0x68: {  	_ =	swait.ge [sflag:s15], $0x4000  }
0x69: {  	[sflag:s15] =	ssyncset.done $0x0  }
0x6a: {  	s31 =	sadd.s32 $0x1000, s22;
	[sflag:s15] =	ssyncadd.s32 $0xFFFFC000  }
0x6b: {  	[hbm4b:s31+s2] =	stream.linear.scatter [tilespmem:s11], [sflag:$0x7], $0x4000, $0x38;
	[tilespmem:$0x10800] =	vst v63  }
0x6c: {  	_ =	swait.ge [sflag:s16], $0x4000  }
0x6d: {  	[sflag:s16] =	ssyncset.done $0x0  }
0x6e: {  	s22 =	sadd.s32 $0x1800, s22;
	[sflag:s16] =	ssyncadd.s32 $0xFFFFC000  }
0x6f: {  	[hbm4b:s22+s2] =	stream.linear.scatter [tilespmem:s12], [sflag:$0x8], $0x4000, $0x38;
	[tilespmem:$0x10800] =	vst v63  }
0x70: {  	_ =	swait.ge [sflag:s17], $0x4000  }
0x71: {  	[sflag:s17] =	ssyncset.done $0x0  }
0x72: {  	[sflag:s17] =	ssyncadd.s32 $0xFFFFC000  }
0x73: {  	_ =	swait.ge [sflag:s18], $0x4000  }
0x74: {  	[sflag:s18] =	ssyncset.done $0x0  }
0x75: {  	s21 =	sadd.s32 $0x1, s21;
	[sflag:s18] =	ssyncadd.s32 $0xFFFFC000  }
0x76: {  	p0 =	sne.s32 s21, s5;
	_ =	swait.ge [sflag:s19], $0x4000  }
.Ltmp1:
0x77: {  	[sflag:s19] =	ssyncset.done $0x0;
	(pc) =	sbr.rel @p0 .LBB2_1-.Ltmp1, $4  }
0x78: {  	[sflag:s19] =	ssyncadd.s32 $0xFFFFC000  }
0x79: {  	_ =	swait.ge [sflag:s20], $0x4000  }
0x7a: {  	[sflag:s20] =	ssyncset.done $0x0  }
0x7b: {  	[sflag:s20] =	ssyncadd.s32 $0xFFFFC000  }
0x7c: {  	_ =	sfence.sel $0x180000  }
0x7d: {  	[bflag:$0x0] =	sbarrier.arrive $0xFFFF  }
0x7e: {  	p0 =	sne.s32 s1, $0x0;
	_ =	strace $0x9000004D  }
0x7f: {  	s0 =	sadd.s32 @!p0 $0x100000, s0;
	[bflag:$0x2] =	sbarrier.arrive $0xFFFF  }
0x80: {  	[sflag:s0] =	ssyncadd.tile.s32 @!p0 $0x1;
	_ =	shalt  }
.Lfunc_end2:
_tile_overlayer_lowered:
.L_overlay_start_2:
0x81: {  	(tag) =	ssettag $0x2  }
0x82: {  	s0 =	rddreg [dreg:$0x0];
	s2 =	stileid.u32  }
0x83: {  	s1 =	rddreg [dreg:$0x1];
	p0 =	sne.s32 s2, $0x0  }
0x84: {  	s3 =	rddreg [dreg:$0x2];
	[bflag:$0x3] =	sbarrier.arrive $0xFFFF;
	s2 =	simm.s32 @!p0 $0x1C09  }
0x85: {  	[timem:s3], [sflag:s2] =	dma.local @!p0 [hbm:s0], s1  }
0x86: {  	s0 =	simm.s32 @!p0 $0x9  }
0x87: {  	_ =	swait.ge @!p0 [sflag:s0], s1  }
0x88: {  	s1 =	ssub.s32 @!p0 $0x0, s1;
	[sflag:s0] =	ssyncset.done @!p0 $0x0  }
0x89: {  	[sflag:s0] =	ssyncadd.s32 @!p0 s1  }
0x8a: {  	[bflag:$0x3] =	sbarrier.arrive $0xFFFF  }
0x8b: {  	_ =	shalt  }

// kernel: kernel.23.cloned.1.call-start
scs
__scs_entry_jumppad:
0x0: {  	(pc) =	sbr.rel $0x88, $3  }
0x1: {  	(tag) =	ssettag $0x0;
	lr =	simm.s32 $0x1  }
0x2: {  	[smem:$0x3FA0] =	sst lr;
	_ =	strace $0xD0000000  }
0x3: {  	_ = 	snop  }
0x4: {  	_ = 	snop  }
0x5: {  	_ = 	snop  }
0x6: {  	_ = 	snop  }
0x7: {  	_ = 	snop  }
__scs_overlays_trampoline_lowered:
0x8: {  	[smem:$0x3FAF] =	sst s0  }
0x9: {  	[smem:$0x3FB0] =	sst s1  }
0xa: {  	[smem:$0x3FB1] =	sst s2  }
0xb: {  	[smem:$0x3FB2] =	sst s3  }
0xc: {  	[smem:$0x3FB3] =	sst s4  }
0xd: {  	[smem:$0x3FB4] =	sst s5  }
0xe: {  	[smem:$0x3FB5] =	sst s6  }
0xf: {  	[smem:$0x3FB6] =	sst s7  }
0x10: {  	[smem:$0x3FB7] =	sst s8  }
0x11: {  	[smem:$0x3FB8] =	sst s9;
	s0 =	simm.s32 @!p0 $0x0  }
0x12: {  	s1 =	sld [smem:$0x3F9E];
	s0 =	simm.s32 @p0 $0x1  }
0x13: {  	[smem:$0x3FB9] =	sst s0;
	s0 =	simm.s32 @!p1 $0x0  }
0x14: {  	s2 =	sld [smem:$0x3F9D];
	s0 =	simm.s32 @p1 $0x1  }
0x15: {  	[smem:$0x3FBA] =	sst s0;
	s0 =	simm.s32 @!p2 $0x0  }
0x16: {  	s3 =	sld [smem:$0x3FDB];
	s0 =	simm.s32 @p2 $0x1  }
0x17: {  	s4 =	simm.s32 $0x1BF5;
	[smem:$0x3FBC] =	sst s0  }
0x18: {  	s0 =	sld [smem:$0x3F9F];
	_ =	swait.ge [sflag:s4], $0x0  }
0x19: {  	s7 =	sld [smem:$0x3FA0]  }
0x1a: {  	s8 =	sadd.s32 $0xFFFFE003, lr  }
0x1b: {  	s9 =	sadd.s32 $0xFFFFFEF7, lr;
	s5 =	simm.s32 $0xFFFFFFFF;
	p2 =	slt.u32 s8, $0xFFFFF086  }
0x1c: {  	p1 =	slt.u32 s9, $0xF7A;
	s5 =	simm.s32 @!p2 $0x0  }
0x1d: {  	s5 =	simm.s32 @p1 $0x1;
	p0 =	seq.s32 s7, s2  }
0x1e: {  	s7 =	smul.u32 @!p0 $0xF7A, s2;
	p2 =	seq.s32 @!p0 s5, $0x0  }
0x1f: {  	s9 =	smul.u32 $0xF7A, s1;
	s8 =	simm.s32 @!p0 $0x1BF5;
	p2 =	por !p2, p0  }
0x20: {  	[sflag:s8] =	ssyncset.s32 @!p0 $0xFFFFF086;
	s6 =	sadd.s32 @!p0 s3, s7;
	s7 =	simm.s32 @!p0 $0x108  }
0x21: {  	s3 =	sadd.s32 s3, s9;
	s6 =	sadd.s32 @!p0 $0x88, s6;
	s7 =	simm.s32 @p2 $0x1082  }
0x22: {  	[simem:s7], [sflag:s8] =	dma.local @!p0 [hbm:s6], $0xF7A  }
0x23: {  	s9 =	sor.u32 $0xD0000000, s2;
	s6 =	simm.s32 $0x108;
	_ =	swait.ge @!p0 [sflag:s8], $0x0  }
0x24: {  	s3 =	sadd.s32 $0x88, s3;
	s6 =	simm.s32 @!p1 $0x1082;
	[sflag:s4] =	ssyncset.s32 $0xFFFFF086  }
0x25: {  	[simem:s6], [sflag:s4] =	dma.local [hbm:s3], $0xF7A  }
0x26: {  	[smem:$0x3FA0] =	sst s1;
	(tag) =	ssettag s2;
	_ =	strace s9  }
0x27: {  	s1 =	sld [smem:$0x3FB0]  }
0x28: {  	s2 =	sld [smem:$0x3FB1]  }
0x29: {  	s4 =	sld [smem:$0x3FB3]  }
0x2a: {  	p0 =	seq.s32 s5, $0x0;
	s5 =	sld [smem:$0x3FB4]  }
0x2b: {  	s6 =	sld [smem:$0x3FB5]  }
0x2c: {  	s7 =	sld [smem:$0x3FB6]  }
0x2d: {  	s3 =	simm.s32 $0x108;
	s8 =	sld [smem:$0x3FB7]  }
0x2e: {  	s3 =	simm.s32 @!p0 $0x1082;
	s9 =	sld [smem:$0x3FB8]  }
0x2f: {  	lr =	sadd.s32 s0, s3;
	s0 =	sld [smem:$0x3FAF]  }
0x30: {  	s3 =	sld [smem:$0x3FB2]  }
0x31: {  	[smem:$0x3FBB] =	sst s10  }
0x32: {  	s10 =	sld [smem:$0x3FB9];
	_ =	sdelay $0x3  }
0x33: {  	p0 =	seq.s32 s10, $0x1;
	s10 =	sld [smem:$0x3FBB];
	_ =	sdelay $0x3  }
0x34: {  	[smem:$0x3FBB] =	sst s10  }
0x35: {  	s10 =	sld [smem:$0x3FBA];
	_ =	sdelay $0x3  }
0x36: {  	p1 =	seq.s32 s10, $0x1;
	s10 =	sld [smem:$0x3FBB];
	_ =	sdelay $0x3  }
0x37: {  	[smem:$0x3FBB] =	sst s10  }
0x38: {  	s10 =	sld [smem:$0x3FBC]  }
0x39: {  	_ = 	snop;
	(pc) =	sbr.ind lr, $3  }
0x3a: {  	_ = 	snop  }
0x3b: {  	_ = 	snop  }
0x3c: {  	p2 =	seq.s32 s10, $0x1;
	s10 =	sld [smem:$0x3FBB]  }
0x3d: {  	_ =	shalt  }
0x3e: {  	_ =	shalt  }
0x3f: {  	_ =	shalt  }
0x40: {  	_ =	shalt  }
0x41: {  	_ =	shalt  }
0x42: {  	_ =	shalt  }
0x43: {  	_ =	shalt  }
0x44: {  	_ =	shalt  }
0x45: {  	_ =	shalt  }
0x46: {  	_ =	shalt  }
0x47: {  	_ =	shalt  }
0x48: {  	_ =	shalt  }
0x49: {  	_ =	shalt  }
0x4a: {  	_ =	shalt  }
0x4b: {  	_ =	shalt  }
0x4c: {  	_ =	shalt  }
0x4d: {  	_ =	shalt  }
0x4e: {  	_ =	shalt  }
0x4f: {  	_ =	shalt  }
0x50: {  	_ =	shalt  }
0x51: {  	_ =	shalt  }
0x52: {  	_ =	shalt  }
0x53: {  	_ =	shalt  }
0x54: {  	_ =	shalt  }
0x55: {  	_ =	shalt  }
0x56: {  	_ =	shalt  }
0x57: {  	_ =	shalt  }
0x58: {  	_ =	shalt  }
0x59: {  	_ =	shalt  }
0x5a: {  	_ =	shalt  }
0x5b: {  	_ =	shalt  }
0x5c: {  	_ =	shalt  }
0x5d: {  	_ =	shalt  }
0x5e: {  	_ =	shalt  }
0x5f: {  	_ =	shalt  }
0x60: {  	_ =	shalt  }
0x61: {  	_ =	shalt  }
0x62: {  	_ =	shalt  }
0x63: {  	_ =	shalt  }
0x64: {  	_ =	shalt  }
0x65: {  	_ =	shalt  }
0x66: {  	_ =	shalt  }
0x67: {  	_ =	shalt  }
0x68: {  	_ =	shalt  }
0x69: {  	_ =	shalt  }
0x6a: {  	_ =	shalt  }
0x6b: {  	_ =	shalt  }
0x6c: {  	_ =	shalt  }
0x6d: {  	_ =	shalt  }
0x6e: {  	_ =	shalt  }
0x6f: {  	_ =	shalt  }
0x70: {  	_ =	shalt  }
0x71: {  	_ =	shalt  }
0x72: {  	_ =	shalt  }
0x73: {  	_ =	shalt  }
0x74: {  	_ =	shalt  }
0x75: {  	_ =	shalt  }
0x76: {  	_ =	shalt  }
0x77: {  	_ =	shalt  }
0x78: {  	_ =	shalt  }
0x79: {  	_ =	shalt  }
0x7a: {  	_ =	shalt  }
0x7b: {  	_ =	shalt  }
0x7c: {  	_ =	shalt  }
0x7d: {  	_ =	shalt  }
0x7e: {  	_ =	shalt  }
0x7f: {  	_ =	shalt  }
0x80: {  	_ =	shalt  }
0x81: {  	_ =	shalt  }
0x82: {  	_ =	shalt  }
0x83: {  	_ =	shalt  }
0x84: {  	_ =	shalt  }
0x85: {  	_ =	shalt  }
0x86: {  	_ =	shalt  }
0x87: {  	_ =	shalt  }
.Lfunc_end0:
.L_simem_size_0:
called_computation.3_lowered:
.L_overlay_start_0:
0x88: {  	s2 =	sld [smem:$0x3FD9]  }
0x89: {  	s3 =	sld [smem:$0x3FFE];
	_ =	sdelay $0x1  }
0x8a: {  	s1 =	srdreg.scid  }
0x8b: {  	s0 =	sand.u32 $0x1, s1  }
0x8c: {  	s15 =	sshll.u32 s0, $0xA;
	s2 =	sadd.s32 s3, s2  }
0x8d: {  	s2 =	sadd.s32 s2, s15  }
0x8e: {  	[smem:$0x3FC7] =	sst s2  }
0x8f: {  	_ = 	snop  }
0x90: {  	s2 =	sld [smem:$0x3FD0];
	_ =	sdelay $0x2  }
0x91: {  	s16 =	simm.s32 $0xD;
	s4 =	simm.s32 $0x10  }
0x92: {  	[smem:s4], [sflag:s16] =	dma.local [hbm:s2], $0x1  }
0x93: {  	_ =	swait.eq [sflag:s16], $0x1  }
0x94: {  	[sflag:s16] =	ssyncset.done $0x0  }
0x95: {  	[sflag:s16] =	ssyncadd.s32 $0xFFFFFFFF  }
0x96: {  	s17 =	sld [smem:$0x11];
	(tm) =	ssettm $0x1  }
0x97: {  	s18 =	sld [smem:$0x3FFB];
	_ =	sdelay $0x3  }
0x98: {  	_ =	strace s18  }
0x99: {  	s2 =	sld [smem:$0x3FFC];
	_ =	sdelay $0x3  }
0x9a: {  	_ =	strace s2  }
0x9b: {  	s2 =	sld [smem:$0x3FFD];
	_ =	sdelay $0x3  }
0x9c: {  	_ =	strace s2  }
0x9d: {  	_ =	strace $0x8FFFFFFF  }
0x9e: {  	s19 =	sld [smem:$0x3FDB];
	_ =	sdelay $0x1  }
0x9f: {  	s20 =	simm.s32 $_scs_section_size  }
0xa0: {  	s5 =	simm.s32 $_size__tile_overlayer_lowered;
	s6 =	simm.s32 $_tile_overlayer_lowered  }
0xa1: {  	s7 =	simm.s32 $0x1BFF;
	s21 =	sshll.u32 s6, $0x1;
	s4 =	sadd.s32 s20, s19  }
0xa2: {  	s22 =	simm.s32 $0x0;
	s5 =	sshll.u32 s5, $0x1;
	s6 =	sadd.s32 s21, s4  }
0xa3: {  	[timem:s22], [sflag:s7] =	dma.local [hbm:s6], s5  }
0xa4: {  	_ =	swait.ge [sflag:s7], s5  }
0xa5: {  	s5 =	ssub.s32 $0x0, s5;
	[sflag:s7] =	ssyncset.done $0x0  }
0xa6: {  	[sflag:s7] =	ssyncadd.s32 s5;
	_ =	sdelay $0x1  }
0xa7: {  	s23 =	simm.s32 $0x1B8B  }
0xa8: {  	_ =	swait.ge [sflag:s23], $0x1  }
0xa9: {  	[sflag:s23] =	ssyncset.done $0x0  }
0xaa: {  	[sflag:s23] =	ssyncadd.s32 $0xFFFFFFFF  }
0xab: {  	s5 =	sld [smem:$0x0]  }
0xac: {  	s6 =	sand.u32 $0xFFFFFFFE, s1  }
0xad: {  	p0 =	sne.s32 s1, s6  }
0xae: {  	s6 =	sshll.u32 @p0 s6, $0xE  }
0xaf: {  	s6 =	sadd.s32 @p0 $0x11B8D, s6;
	s7 =	sshll.u32 @p0 s5, $0x11  }
0xb0: {  	s6 =	sor.u32 @p0 s7, s6  }
0xb1: {  	[sflag:s6] =	ssyncadd.remote.s32 @p0 $0x1;
	_ =	sdelay $0x1  }
0xb2: {  	s6 =	simm.s32 @p0 $0x1B8D  }
0xb3: {  	_ =	swait.eq @p0 [sflag:s6], $0x1  }
0xb4: {  	[sflag:s6] =	ssyncadd.s32 @p0 $0xFFFFFFFF  }
0xb5: {  	s7 =	sshll.u32 @!p0 s1, $0xE  }
0xb6: {  	s7 =	sor.u32 @!p0 $0x4000, s7;
	s6 =	simm.s32 @!p0 $0x1B8D  }
0xb7: {  	s5 =	sshll.u32 @!p0 s5, $0x11;
	s7 =	sadd.s32 @!p0 $0x11B8D, s7;
	_ =	swait.eq @!p0 [sflag:s6], $0x1  }
0xb8: {  	s5 =	sor.u32 @!p0 s5, s7;
	[sflag:s6] =	ssyncadd.s32 @!p0 $0xFFFFFFFF  }
0xb9: {  	s25 =	simm.s32 $0x1B8E;
	s24 =	sld [smem:$0x3FFE];
	[sflag:s5] =	ssyncadd.remote.s32 @!p0 $0x1  }
0xba: {  	s26 =	simm.s32 $execute0_lowered;
	[smem:$0x3FD2] =	sst s25  }
0xbb: {  	s6 =	sshll.u32 s26, $0x1;
	_ =	strace $0x8000004F;
	[dreg:$0x1] =	wrdreg $0xFFFFFFFF  }
0xbc: {  	s28 =	simm.s32 $_size_execute0_lowered;
	s4 =	sadd.s32 s4, s6;
	[dreg:$0x0] =	wrdreg $0x0  }
0xbd: {  	s6 =	sshll.u32 s28, $0x1;
	[dreg:$0x2] =	wrdreg s4  }
0xbe: {  	[dreg:$0x3] =	wrdreg s6  }
0xbf: {  	[dreg:$0x4] =	wrdreg $0xC0  }
0xc0: {  	_ =	task [dreg:s22], $0x5FFFF  }
0xc1: {  	[dreg:$0x1] =	wrdreg $0xFFFFFFFF  }
0xc2: {  	[dreg:$0x0] =	wrdreg $0x60  }
0xc3: {  	[dreg:$0x2] =	wrdreg s24  }
0xc4: {  	[dreg:$0x3] =	wrdreg s17  }
0xc5: {  	[dreg:$0x4] =	wrdreg $0xC  }
0xc6: {  	_ =	task.clear_ibuf [dreg:s22], $0x5FFFF;
	_ =	strace $0x9000004F  }
0xc7: {  	s29 =	simm.s32 $0xC;
	_ =	strace $0x80000051  }
0xc8: {  	_ =	swait.ge [sflag:s29], $0x1  }
0xc9: {  	[sflag:s29] =	ssyncadd.s32 $0xFFFFFFFF  }
0xca: {  	_ =	strace $0x90000051  }
0xcb: {  	_ =	sfence  }
0xcc: {  	s30 =	sld [smem:$0x0];
	_ =	sdelay $0x2  }
0xcd: {  	s31 =	sshll.u32 s1, $0xD;
	s1 =	sshrl.u32 s1, $0x2  }
0xce: {  	s4 =	sand.u32 $0x4000, s31;
	s1 =	sadd.s32 s1, s30  }
0xcf: {  	s0 =	sor.u32 s4, s0;
	s1 =	sshll.u32 s1, $0x11  }
0xd0: {  	s0 =	sor.u32 s1, s0  }
0xd1: {  	s0 =	sadd.s32 $0x8F2B, s0  }
0xd2: {  	[sflag:s0] =	ssyncadd.remote.s32 $0x1  }
0xd3: {  	_ =	sfence.sel $0xFFFF  }
0xd4: {  	[dreg:$0x0] =	wrdreg $0xFFFFFFFF;
	(pc) =	sbr.abs _section_cstart, $3  }
0xd5: {  	[dreg:$0x1] =	wrdreg $0xFFFFFFFF  }
0xd6: {  	_ =	task.clear_ibuf [dreg:s22], $0x2FFFF;
	_ =	strace $0x9FFFFFFF  }
0xd7: {  	(tm) =	ssettm $0x7FFFFFFF  }
tec
execute0_lowered:
.L_overlay_start_1:
0x0: {  	(tag) =	ssettag $0x1  }
0x1: {  	s4 =	rddreg [dreg:$0x0]  }
0x2: {  	s5 =	rddreg [dreg:$0x1]  }
0x3: {  	s0 =	rddreg [dreg:$0x2]  }
0x4: {  	s2 =	simm.s32 $0x0;
	s1 =	stileid.u32;
	s7 =	srdreg.scid  }
0x5: {  	s11 =	simm.s32 $0x8800;
	s12 =	simm.s32 $0xC800;
	s13 =	simm.s32 $0x1  }
0x6: {  	s14 =	simm.s32 $0x2;
	s15 =	simm.s32 $0x3;
	s16 =	simm.s32 $0x4  }
0x7: {  	s17 =	simm.s32 $0x5;
	s18 =	simm.s32 $0x6;
	s19 =	simm.s32 $0x7  }
0x8: {  	s20 =	simm.s32 $0x8;
	s21 =	simm.s32 $0x0;
	[smem:$0x7FF] =	sst s2  }
0x9: {  	s6 =	sshll.u32 s1, $0x10;
	s3 =	sadd.s32 $0x507600, s4;
	s31 =	sand.u32 $0x1, s7  }
0xa: {  	s8 =	sshll.u32 s1, $0xC;
	_ =	strace $0x80000050;
	s4 =	sadd.s32 s6, s4  }
0xb: {  	s7 =	ssub.s32 $0x2, s31;
	s9 =	sshll.u32 s31, $0xB;
	s6 =	sshll.u32 s31, $0xF  }
0xc: {  	s10 =	sshrl.u32 s7, $0x1;
	s8 =	sor.u32 s9, s8;
	s6 =	sadd.s32 s6, s4  }
0xd: {  	s9 =	simm.s32 $0x800;
	s7 =	ssub.s32 s7, s10;
	s8 =	sshrl.u32 s8, $0x3  }
0xe: {  	s6 =	sadd.s32 $0x607600, s6;
	s10 =	simm.s32 $0x4800;
	s4 =	sadd.s32 s5, s8  }
0xf: {  	s5 =	smax.u32 s7, $0x1;
	s7 =	simm.s32 $0x9;
	s8 =	simm.s32 $0x80  }
.LBB2_1:
0x10: {  	[tilespmem:s2], [sflag:$0x9] =	stream.linear.gather [hbm4b:s4+s2], $0x800, $0x38;
	[tilespmem:$0x10800] =	vst v63  }
0x11: {  	_ =	swait.ge [sflag:s7], $0x800  }
0x12: {  	[sflag:s7] =	ssyncset.done $0x0  }
0x13: {  	s22 =	simm.s32 $0x0;
	[sflag:s7] =	ssyncadd.s32 $0xFFFFF800  }
0x14: {  	[tilespmem:s9], [sflag:$0x1] =	stream.indirect.gather [hbm4b:s3+s8], $0x80, s22, s8, $0xb8;
	[tilespmem:$0x10800] =	vst v63  }
0x15: {  	s26 =	simm.s32 $0x80  }
0x16: {  	[tilespmem:s10], [sflag:$0x2] =	stream.indirect.gather [hbm4b:s3+s8], $0x80, s26, s8, $0xb8;
	[tilespmem:$0x10800] =	vst v63  }
0x17: {  	s28 =	simm.s32 $0x100  }
0x18: {  	[tilespmem:s11], [sflag:$0x3] =	stream.indirect.gather [hbm4b:s3+s8], $0x80, s28, s8, $0xb8;
	[tilespmem:$0x10800] =	vst v63  }
0x19: {  	s29 =	simm.s32 $0x180  }
0x1a: {  	[tilespmem:s12], [sflag:$0x4] =	stream.indirect.gather [hbm4b:s3+s8], $0x80, s29, s8, $0xb8;
	[tilespmem:$0x10800] =	vst v63  }
0x1b: {  	_ =	swait.ge [sflag:s13], $0x4000  }
0x1c: {  	[sflag:s13] =	ssyncset.done $0x0  }
0x1d: {  	s30 =	sadd.s32 $0x0, s6;
	[sflag:s13] =	ssyncadd.s32 $0xFFFFC000  }
0x1e: {  	[hbm4b:s30+s2] =	stream.linear.scatter [tilespmem:s9], [sflag:$0x5], $0x4000, $0x38;
	[tilespmem:$0x10800] =	vst v63  }
0x1f: {  	_ =	swait.ge [sflag:s14], $0x4000  }
0x20: {  	[sflag:s14] =	ssyncset.done $0x0  }
0x21: {  	s23 =	sadd.s32 $0x800, s30;
	[sflag:s14] =	ssyncadd.s32 $0xFFFFC000  }
0x22: {  	[hbm4b:s23+s2] =	stream.linear.scatter [tilespmem:s10], [sflag:$0x6], $0x4000, $0x38;
	[tilespmem:$0x10800] =	vst v63  }
0x23: {  	_ =	swait.ge [sflag:s15], $0x4000  }
0x24: {  	[sflag:s15] =	ssyncset.done $0x0  }
0x25: {  	s31 =	sadd.s32 $0x1000, s30;
	[sflag:s15] =	ssyncadd.s32 $0xFFFFC000  }
0x26: {  	[hbm4b:s31+s2] =	stream.linear.scatter [tilespmem:s11], [sflag:$0x7], $0x4000, $0x38;
	[tilespmem:$0x10800] =	vst v63  }
0x27: {  	_ =	swait.ge [sflag:s16], $0x4000  }
0x28: {  	[sflag:s16] =	ssyncset.done $0x0  }
0x29: {  	s22 =	sadd.s32 $0x1800, s30;
	[sflag:s16] =	ssyncadd.s32 $0xFFFFC000  }
0x2a: {  	[hbm4b:s22+s2] =	stream.linear.scatter [tilespmem:s12], [sflag:$0x8], $0x4000, $0x38;
	[tilespmem:$0x10800] =	vst v63  }
0x2b: {  	_ =	swait.ge [sflag:s17], $0x4000  }
0x2c: {  	[sflag:s17] =	ssyncset.done $0x0  }
0x2d: {  	[sflag:s17] =	ssyncadd.s32 $0xFFFFC000  }
0x2e: {  	_ =	swait.ge [sflag:s18], $0x4000  }
0x2f: {  	[sflag:s18] =	ssyncset.done $0x0  }
0x30: {  	[sflag:s18] =	ssyncadd.s32 $0xFFFFC000  }
0x31: {  	_ =	swait.ge [sflag:s19], $0x4000  }
0x32: {  	[sflag:s19] =	ssyncset.done $0x0  }
0x33: {  	[sflag:s19] =	ssyncadd.s32 $0xFFFFC000  }
0x34: {  	s24 =	simm.s32 $0x4000;
	_ =	swait.ge [sflag:s20], $0x4000  }
0x35: {  	s23 =	simm.s32 $0x300;
	s22 =	simm.s32 $0x2000;
	[sflag:s20] =	ssyncset.done $0x0  }
.LBB2_2:
0x36: {  	p0 =	sne.s32 s24, $0x6000;
	s25 =	sadd.s32 $0xFFFFFF00, s23;
	[sflag:s20] =	ssyncadd.s32 $0xFFFFC000  }
0x37: {  	[tilespmem:s9], [sflag:$0x1] =	stream.indirect.gather [hbm4b:s3+s8], $0x80, s25, s8, $0xb8;
	[tilespmem:$0x10800] =	vst v63  }
0x38: {  	s26 =	smov.u32 s24;
	s24 =	sadd.s32 $0x2000, s24;
	s25 =	sadd.s32 $0xFFFFFF80, s23  }
0x39: {  	[tilespmem:s10], [sflag:$0x2] =	stream.indirect.gather [hbm4b:s3+s8], $0x80, s25, s8, $0xb8;
	[tilespmem:$0x10800] =	vst v63  }
0x3a: {  	_ = 	snop  }
0x3b: {  	[tilespmem:s11], [sflag:$0x3] =	stream.indirect.gather [hbm4b:s3+s8], $0x80, s23, s8, $0xb8;
	[tilespmem:$0x10800] =	vst v63  }
0x3c: {  	s25 =	sadd.s32 $0x80, s23  }
0x3d: {  	[tilespmem:s12], [sflag:$0x4] =	stream.indirect.gather [hbm4b:s3+s8], $0x80, s25, s8, $0xb8;
	[tilespmem:$0x10800] =	vst v63  }
0x3e: {  	_ =	swait.ge [sflag:s13], $0x4000  }
0x3f: {  	[sflag:s13] =	ssyncset.done $0x0  }
0x40: {  	s25 =	sadd.s32 s22, s6;
	s22 =	smov.u32 s26;
	[sflag:s13] =	ssyncadd.s32 $0xFFFFC000  }
0x41: {  	[hbm4b:s25+s2] =	stream.linear.scatter [tilespmem:s9], [sflag:$0x5], $0x4000, $0x38;
	[tilespmem:$0x10800] =	vst v63  }
0x42: {  	_ =	swait.ge [sflag:s14], $0x4000  }
0x43: {  	[sflag:s14] =	ssyncset.done $0x0  }
0x44: {  	s26 =	sadd.s32 $0x800, s25;
	[sflag:s14] =	ssyncadd.s32 $0xFFFFC000  }
0x45: {  	[hbm4b:s26+s2] =	stream.linear.scatter [tilespmem:s10], [sflag:$0x6], $0x4000, $0x38;
	[tilespmem:$0x10800] =	vst v63  }
0x46: {  	_ =	swait.ge [sflag:s15], $0x4000  }
0x47: {  	[sflag:s15] =	ssyncset.done $0x0  }
0x48: {  	s26 =	sadd.s32 $0x1000, s25;
	[sflag:s15] =	ssyncadd.s32 $0xFFFFC000  }
0x49: {  	[hbm4b:s26+s2] =	stream.linear.scatter [tilespmem:s11], [sflag:$0x7], $0x4000, $0x38;
	[tilespmem:$0x10800] =	vst v63  }
0x4a: {  	_ =	swait.ge [sflag:s16], $0x4000  }
0x4b: {  	[sflag:s16] =	ssyncset.done $0x0  }
0x4c: {  	s25 =	sadd.s32 $0x1800, s25;
	[sflag:s16] =	ssyncadd.s32 $0xFFFFC000  }
0x4d: {  	[hbm4b:s25+s2] =	stream.linear.scatter [tilespmem:s12], [sflag:$0x8], $0x4000, $0x38;
	[tilespmem:$0x10800] =	vst v63  }
0x4e: {  	_ =	swait.ge [sflag:s17], $0x4000  }
0x4f: {  	[sflag:s17] =	ssyncset.done $0x0  }
0x50: {  	[sflag:s17] =	ssyncadd.s32 $0xFFFFC000  }
0x51: {  	_ =	swait.ge [sflag:s18], $0x4000  }
0x52: {  	[sflag:s18] =	ssyncset.done $0x0  }
0x53: {  	[sflag:s18] =	ssyncadd.s32 $0xFFFFC000  }
.Ltmp0:
0x54: {  	_ =	swait.ge [sflag:s19], $0x4000;
	(pc) =	sbr.rel @p0 .LBB2_2-.Ltmp0, $4  }
0x55: {  	[sflag:s19] =	ssyncset.done $0x0  }
0x56: {  	[sflag:s19] =	ssyncadd.s32 $0xFFFFC000  }
0x57: {  	_ =	swait.ge [sflag:s20], $0x4000  }
0x58: {  	s23 =	sadd.s32 $0x200, s23;
	[sflag:s20] =	ssyncset.done $0x0  }
0x59: {  	s24 =	sadd.s32 $0xFFFFFF00, s23;
	[sflag:s20] =	ssyncadd.s32 $0xFFFFC000  }
0x5a: {  	[tilespmem:s9], [sflag:$0x1] =	stream.indirect.gather [hbm4b:s3+s8], $0x80, s24, s8, $0xb8;
	[tilespmem:$0x10800] =	vst v63  }
0x5b: {  	s28 =	sadd.s32 $0xFFFFFF80, s23  }
0x5c: {  	[tilespmem:s10], [sflag:$0x2] =	stream.indirect.gather [hbm4b:s3+s8], $0x80, s28, s8, $0xb8;
	[tilespmem:$0x10800] =	vst v63  }
0x5d: {  	_ = 	snop  }
0x5e: {  	[tilespmem:s11], [sflag:$0x3] =	stream.indirect.gather [hbm4b:s3+s8], $0x80, s23, s8, $0xb8;
	[tilespmem:$0x10800] =	vst v63  }
0x5f: {  	s29 =	sadd.s32 $0x80, s23  }
0x60: {  	[tilespmem:s12], [sflag:$0x4] =	stream.indirect.gather [hbm4b:s3+s8], $0x80, s29, s8, $0xb8;
	[tilespmem:$0x10800] =	vst v63  }
0x61: {  	_ =	swait.ge [sflag:s13], $0x4000  }
0x62: {  	[sflag:s13] =	ssyncset.done $0x0  }
0x63: {  	s22 =	sadd.s32 s22, s6;
	[sflag:s13] =	ssyncadd.s32 $0xFFFFC000  }
0x64: {  	[hbm4b:s22+s2] =	stream.linear.scatter [tilespmem:s9], [sflag:$0x5], $0x4000, $0x38;
	[tilespmem:$0x10800] =	vst v63  }
0x65: {  	_ =	swait.ge [sflag:s14], $0x4000  }
0x66: {  	[sflag:s14] =	ssyncset.done $0x0  }
0x67: {  	s30 =	sadd.s32 $0x800, s22;
	[sflag:s14] =	ssyncadd.s32 $0xFFFFC000  }
0x68: {  	[hbm4b:s30+s2] =	stream.linear.scatter [tilespmem:s10], [sflag:$0x6], $0x4000, $0x38;
	[tilespmem:$0x10800] =	vst v63  }
0x69: {  	_ =	swait.ge [sflag:s15], $0x4000  }
0x6a: {  	[sflag:s15] =	ssyncset.done $0x0  }
0x6b: {  	s31 =	sadd.s32 $0x1000, s22;
	[sflag:s15] =	ssyncadd.s32 $0xFFFFC000  }
0x6c: {  	[hbm4b:s31+s2] =	stream.linear.scatter [tilespmem:s11], [sflag:$0x7], $0x4000, $0x38;
	[tilespmem:$0x10800] =	vst v63  }
0x6d: {  	_ =	swait.ge [sflag:s16], $0x4000  }
0x6e: {  	[sflag:s16] =	ssyncset.done $0x0  }
0x6f: {  	s22 =	sadd.s32 $0x1800, s22;
	[sflag:s16] =	ssyncadd.s32 $0xFFFFC000  }
0x70: {  	[hbm4b:s22+s2] =	stream.linear.scatter [tilespmem:s12], [sflag:$0x8], $0x4000, $0x38;
	[tilespmem:$0x10800] =	vst v63  }
0x71: {  	_ =	swait.ge [sflag:s17], $0x4000  }
0x72: {  	[sflag:s17] =	ssyncset.done $0x0  }
0x73: {  	[sflag:s17] =	ssyncadd.s32 $0xFFFFC000  }
0x74: {  	_ =	swait.ge [sflag:s18], $0x4000  }
0x75: {  	[sflag:s18] =	ssyncset.done $0x0  }
0x76: {  	s21 =	sadd.s32 $0x1, s21;
	[sflag:s18] =	ssyncadd.s32 $0xFFFFC000  }
0x77: {  	p0 =	sne.s32 s21, s5;
	_ =	swait.ge [sflag:s19], $0x4000  }
.Ltmp1:
0x78: {  	[sflag:s19] =	ssyncset.done $0x0;
	(pc) =	sbr.rel @p0 .LBB2_1-.Ltmp1, $4  }
0x79: {  	[sflag:s19] =	ssyncadd.s32 $0xFFFFC000  }
0x7a: {  	_ =	swait.ge [sflag:s20], $0x4000  }
0x7b: {  	[sflag:s20] =	ssyncset.done $0x0  }
0x7c: {  	[sflag:s20] =	ssyncadd.s32 $0xFFFFC000  }
0x7d: {  	_ =	sfence.sel $0x180000  }
0x7e: {  	[bflag:$0x0] =	sbarrier.arrive $0xFFFF  }
0x7f: {  	p0 =	sne.s32 s1, $0x0;
	_ =	strace $0x90000050  }
0x80: {  	s0 =	sadd.s32 @!p0 $0x100000, s0;
	[bflag:$0x2] =	sbarrier.arrive $0xFFFF  }
0x81: {  	[sflag:s0] =	ssyncadd.tile.s32 @!p0 $0x1;
	_ =	shalt  }
.Lfunc_end2:
_tile_overlayer_lowered:
.L_overlay_start_2:
0x82: {  	(tag) =	ssettag $0x2  }
0x83: {  	s0 =	rddreg [dreg:$0x0];
	s2 =	stileid.u32  }
0x84: {  	s1 =	rddreg [dreg:$0x1];
	p0 =	sne.s32 s2, $0x0  }
0x85: {  	s3 =	rddreg [dreg:$0x2];
	[bflag:$0x3] =	sbarrier.arrive $0xFFFF;
	s2 =	simm.s32 @!p0 $0x1C09  }
0x86: {  	[timem:s3], [sflag:s2] =	dma.local @!p0 [hbm:s0], s1  }
0x87: {  	s0 =	simm.s32 @!p0 $0x9  }
0x88: {  	_ =	swait.ge @!p0 [sflag:s0], s1  }
0x89: {  	s1 =	ssub.s32 @!p0 $0x0, s1;
	[sflag:s0] =	ssyncset.done @!p0 $0x0  }
0x8a: {  	[sflag:s0] =	ssyncadd.s32 @!p0 s1  }
0x8b: {  	[bflag:$0x3] =	sbarrier.arrive $0xFFFF  }
0x8c: {  	_ =	shalt  }

</sc_bundles>
